<compile_context>
chip_gen: v7x
topology: tpu7x:2x2x1
jax: 0.10.2.dev20260603
libtpu: 0.0.44.dev20260713+nightly
codegen_flags: <defaults>
</compile_context>

<pallas_src>
import functools

import jax
import jax.numpy as jnp
from jax import lax
from jax.experimental import pallas as pl
from jax.experimental.pallas import tpu as pltpu
from jax.experimental.pallas import tpu_sc as plsc

N_LANES = 16
NC = 2
NS = 16
SUB = 128
NODE_ALIGN = 512


def _plan(n_elem):
  c = SUB
  for cand in (2560, 1280, 640, 256, 128):
    if NS * cand <= max(n_elem, NS * SUB):
      c = cand
      break
  chunks = max(1, -(-n_elem // (NS * c)))
  return c, chunks, NS * c * chunks


def _sc_pass(pred8, scal16, nAf, nBf, Lp, Ep, Ap, Ip, cp, sp_, fxp, fzp, fmp,
             bcp, npad, c_sz, chunks):
  nsub = c_sz // SUB
  iters = c_sz // N_LANES
  per_sub = chunks * c_sz
  rows_per_sub = npad // 2 // NS
  half = npad // NC
  falloc = half // 2 + SUB
  fz_per_sub = falloc // NS
  trash = half // 2
  nodes_per_sub = half // NS
  node_iters = nodes_per_sub // N_LANES

  mesh = plsc.VectorSubcoreMesh(core_axis_name="c", subcore_axis_name="s",
                                num_cores=NC, num_subcores=NS)

  @functools.partial(
      pl.kernel,
      out_type=jax.ShapeDtypeStruct((NC * NS, 5, N_LANES), jnp.float32),
      mesh=mesh,
      compiler_params=pltpu.CompilerParams(needs_layout_passes=False,
                                           use_tc_tiling_on_sc=False),
      scratch_types=[
          pltpu.VMEM((c_sz,), jnp.int32),
          pltpu.VMEM((c_sz,), jnp.int32),
          pltpu.VMEM((c_sz,), jnp.int32),
          pltpu.VMEM((c_sz,), jnp.int32),
          pltpu.VMEM((c_sz,), jnp.float32),
          pltpu.VMEM((c_sz,), jnp.float32),
          pltpu.VMEM((c_sz,), jnp.float32),
          pltpu.VMEM((c_sz,), jnp.float32),
          pltpu.VMEM((c_sz,), jnp.float32),
          pltpu.VMEM((c_sz,), jnp.float32),
          pltpu.VMEM((c_sz, 8), jnp.float32),
          pltpu.VMEM((c_sz, 8), jnp.float32),
          pltpu.VMEM((c_sz, 8), jnp.float32),
          pltpu.VMEM((c_sz, 8), jnp.float32),
          pltpu.VMEM((c_sz,), jnp.int32),
          pltpu.VMEM((c_sz,), jnp.int32),
          pltpu.VMEM((N_LANES,), jnp.float32),
          pltpu.VMEM((N_LANES,), jnp.float32),
          pltpu.VMEM((N_LANES,), jnp.float32),
          pltpu.VMEM((N_LANES,), jnp.float32),
          pltpu.VMEM((N_LANES,), jnp.float32),
          pltpu.VMEM((N_LANES,), jnp.float32),
          pltpu.VMEM((N_LANES,), jnp.float32),
          pltpu.VMEM((N_LANES,), jnp.float32),
          pltpu.VMEM((N_LANES,), jnp.float32),
          pltpu.VMEM_SHARED((NC * falloc, 8), jnp.float32),
          pltpu.SemaphoreType.DMA,
      ],
  )
  def kern(pred8_h, uc_h, tc_h, rfc_h, rfcl_h, gA_h, gB_h, pA_h, pB_h,
           sA_h, sB_h, L_h, E_h, A_h, I_h, c_h, s_h, fx_h, fz_h, fm_h, bc_h,
           uout_h,
           gA_v, gB_v, sA_v, sB_v, L_v, E_v, A_v, I_v, c_v, s_v,
           uA_r, uB_r, fA_r, fB_r, pA_v, pB_v, uc_v, tc_v, rfc_v, rfcl_v,
           acc0, acc1, acc2, acc3, acc4, f_sp, dsem):
    cid = lax.axis_index("c")
    sid = lax.axis_index("s")
    wid = sid * NC + cid

    pltpu.sync_copy(uc_h, uc_v)
    pltpu.sync_copy(tc_h, tc_v)
    pltpu.sync_copy(rfc_h, rfc_v)
    pltpu.sync_copy(rfcl_h, rfcl_v)

    iota = lax.iota(jnp.int32, N_LANES)
    uc = uc_v[...]
    tc = tc_v[...]
    rfc = rfc_v[...]
    rfcl = rfcl_v[...]
    zero16 = jnp.zeros((N_LANES,), jnp.float32)
    emask = jnp.where(jnp.broadcast_to(cid, (N_LANES,)) == 0, 1.0, 0.0)

    def zbody(i, _):
      idx = i * N_LANES + iota
      zrow = lax.shift_right_logical(idx, 3)
      zcol = lax.bitwise_and(idx, 7)
      plsc.store_scatter(fA_r, [zrow, zcol], zero16)
      plsc.store_scatter(fB_r, [zrow, zcol], zero16)
      return _
    lax.fori_loop(0, c_sz * 8 // N_LANES, zbody, 0)
    pltpu.sync_copy(fA_r.at[pl.ds(0, fz_per_sub)],
                    f_sp.at[pl.ds(sid * fz_per_sub, fz_per_sub)])

    acc0[...] = zero16
    acc1[...] = zero16
    acc2[...] = zero16
    acc3[...] = zero16
    acc4[...] = zero16

    plsc.subcore_barrier()

    h0 = cid * half
    tbase = sid * per_sub

    def chunk_body(k, carry):
      base = tbase + k * c_sz
      pltpu.sync_copy(L_h.at[pl.ds(base, c_sz)], L_v)
      pltpu.sync_copy(E_h.at[pl.ds(base, c_sz)], E_v)
      pltpu.sync_copy(A_h.at[pl.ds(base, c_sz)], A_v)
      pltpu.sync_copy(I_h.at[pl.ds(base, c_sz)], I_v)
      pltpu.sync_copy(c_h.at[pl.ds(base, c_sz)], c_v)
      pltpu.sync_copy(s_h.at[pl.ds(base, c_sz)], s_v)

      pltpu.sync_copy(gA_h.at[pl.ds(base, c_sz)], gA_v)
      pltpu.sync_copy(gB_h.at[pl.ds(base, c_sz)], gB_v)
      pltpu.sync_copy(pA_h.at[pl.ds(base, c_sz)], pA_v)
      pltpu.sync_copy(pB_h.at[pl.ds(base, c_sz)], pB_v)
      ck = sid * chunks + k
      pltpu.sync_copy(sA_h.at[cid, ck], sA_v)
      pltpu.sync_copy(sB_h.at[cid, ck], sB_v)
      ga = pltpu.async_copy(pred8_h.at[gA_v], uA_r, dsem)
      gb = pltpu.async_copy(pred8_h.at[gB_v], uB_r, dsem)
      ga.wait()
      gb.wait()

      def cbody(i, _):
        row = i * N_LANES + iota
        sl = pl.ds(i * N_LANES, N_LANES)
        Lv = L_v[sl]
        Ev = E_v[sl]
        Av = A_v[sl]
        Iv = I_v[sl]
        cv = c_v[sl]
        sv = s_v[sl]
        parA = pA_v[sl]
        parB = pB_v[sl]
        pxA = plsc.load_gather(uA_r, [row, parA])
        pzA = plsc.load_gather(uA_r, [row, parA + 1])
        ptA = plsc.load_gather(uA_r, [row, parA + 2])
        pxB = plsc.load_gather(uB_r, [row, parB])
        pzB = plsc.load_gather(uB_r, [row, parB + 1])
        ptB = plsc.load_gather(uB_r, [row, parB + 2])
        rL = 1.0 / Lv
        ea_L = Ev * Av * rL
        ei_L = Ev * Iv * rL
        ei_L2 = ei_L * rL
        ei_L3 = ei_L2 * rL
        dux = (pxA - pxB) * uc
        duz = (pzA - pzB) * uc
        du = cv * dux + sv * duz
        dw = cv * duz - sv * dux
        d2 = -(tc * ptA)
        d5 = -(tc * ptB)
        f0 = ea_L * du
        dwb = ei_L2 * dw
        f1 = 12.0 * (ei_L3 * dw) + 6.0 * (ei_L2 * (d2 + d5))
        f2 = 6.0 * dwb + ei_L * (4.0 * d2 + 2.0 * d5)
        f5 = 6.0 * dwb + ei_L * (2.0 * d2 + 4.0 * d5)
        fAx = cv * f0 - sv * f1
        fAz = sv * f0 + cv * f1
        e = f0 * du + f1 * dw + f2 * d2 + f5 * d5
        acc0[...] = acc0[...] + e * emask
        oppA = 4 - parA
        oppB = 4 - parB
        plsc.store_scatter(fA_r, [row, parA], fAx)
        plsc.store_scatter(fA_r, [row, parA + 1], fAz)
        plsc.store_scatter(fA_r, [row, parA + 2], -f2)
        plsc.store_scatter(fA_r, [row, oppA], zero16)
        plsc.store_scatter(fA_r, [row, oppA + 1], zero16)
        plsc.store_scatter(fA_r, [row, oppA + 2], zero16)
        plsc.store_scatter(fB_r, [row, parB], -fAx)
        plsc.store_scatter(fB_r, [row, parB + 1], -fAz)
        plsc.store_scatter(fB_r, [row, parB + 2], -f5)
        plsc.store_scatter(fB_r, [row, oppB], zero16)
        plsc.store_scatter(fB_r, [row, oppB + 1], zero16)
        plsc.store_scatter(fB_r, [row, oppB + 2], zero16)
        return _
      lax.fori_loop(0, iters, cbody, 0)

      pltpu.sync_copy(fA_r, f_sp.at[sA_v], add=True)
      pltpu.sync_copy(fB_r, f_sp.at[sB_v], add=True)
      return carry

    lax.fori_loop(0, chunks, chunk_body, 0)

    plsc.subcore_barrier()

    n0l = sid * (nodes_per_sub // 2)
    n0g = h0 + sid * nodes_per_sub
    pltpu.sync_copy(fx_h.at[pl.ds(n0g, nodes_per_sub)],
                    L_v.at[pl.ds(0, nodes_per_sub)])
    pltpu.sync_copy(fz_h.at[pl.ds(n0g, nodes_per_sub)],
                    E_v.at[pl.ds(0, nodes_per_sub)])
    pltpu.sync_copy(fm_h.at[pl.ds(n0g, nodes_per_sub)],
                    A_v.at[pl.ds(0, nodes_per_sub)])
    pltpu.sync_copy(bc_h.at[pl.ds(n0g, nodes_per_sub)],
                    I_v.at[pl.ds(0, nodes_per_sub)])
    pltpu.sync_copy(f_sp.at[pl.ds(n0l, nodes_per_sub // 2)],
                    fA_r.at[pl.ds(0, nodes_per_sub // 2)])
    pltpu.sync_copy(pred8_h.at[pl.ds(n0g // 2, nodes_per_sub // 2)],
                    uB_r.at[pl.ds(0, nodes_per_sub // 2)])

    def nbody(i, _):
      row = i * N_LANES + iota
      sl = pl.ds(i * N_LANES, N_LANES)
      fxv = L_v[sl]
      fzv = E_v[sl]
      fmv = A_v[sl]
      bcv = I_v[sl]
      row8 = i * 8 + lax.shift_right_logical(iota, 1)
      colalt = lax.bitwise_and(iota, 1) * 4
      Fx = plsc.load_gather(fA_r, [row8, colalt])
      Fz = plsc.load_gather(fA_r, [row8, colalt + 1])
      Fm = plsc.load_gather(fA_r, [row8, colalt + 2])
      px = plsc.load_gather(uB_r, [row8, colalt])
      pz = plsc.load_gather(uB_r, [row8, colalt + 1])
      pth = plsc.load_gather(uB_r, [row8, colalt + 2])
      rnx = (Fx + fxv) * rfc
      rnz = (Fz + fzv) * rfc
      rnm = (Fm + fmv) * rfcl
      sq = rnx * rnx + rnz * rnz + rnm * rnm
      freev = jnp.where(bcv < 0.5, 1.0, 0.0)
      acc1[...] = acc1[...] + sq * freev
      acc2[...] = acc2[...] + sq
      acc3[...] = acc3[...] + freev
      acc4[...] = acc4[...] + uc * (fxv * px + fzv * pz) + tc * (fmv * pth)
      return _
    lax.fori_loop(0, node_iters, nbody, 0)

    pltpu.sync_copy(acc0, uout_h.at[wid, 0])
    pltpu.sync_copy(acc1, uout_h.at[wid, 1])
    pltpu.sync_copy(acc2, uout_h.at[wid, 2])
    pltpu.sync_copy(acc3, uout_h.at[wid, 3])
    pltpu.sync_copy(acc4, uout_h.at[wid, 4])

  gA = lax.shift_right_logical(nAf, 1)
  gB = lax.shift_right_logical(nBf, 1)
  pA4 = lax.bitwise_and(nAf, 1) * 4
  pB4 = lax.bitwise_and(nBf, 1) * 4
  scs = []
  for node_ids in (nAf, nBf):
    percore = []
    for c in range(NC):
      loc = node_ids - c * half
      ok = (loc >= 0) & (loc < half)
      percore.append(jnp.where(ok, lax.shift_right_logical(loc, 1), trash))
    scs.append(jnp.stack(percore).reshape(NC, NS * chunks, c_sz))
  return kern(pred8, scal16[0], scal16[1], scal16[2], scal16[3], gA, gB,
              pA4, pB4, scs[0], scs[1], Lp, Ep, Ap, Ip, cp, sp_, fxp, fzp,
              fmp, bcp)


def _finalize(predT, u_c, theta_c, upart, n_nodes):
  n = predT.shape[1]

  def body(uc_s, tc_s, pred_r, up_r, loss_r, uphys_r, u_r, w_r):
    uc = uc_s[0]
    tc = tc_s[0]
    pred = pred_r[...]
    col = lax.broadcasted_iota(jnp.int32, (3, n), 0)
    scale = jnp.where(col == 2, tc, uc)
    uphys_r[...] = pred * scale
    up = up_r[...]
    e_sum = jnp.sum(up[:, 0, :])
    sfree = jnp.sum(up[:, 1, :])
    sall = jnp.sum(up[:, 2, :])
    cnt = jnp.sum(up[:, 3, :])
    w_sum = jnp.sum(up[:, 4, :])
    denom = cnt * 3.0
    loss_free = sfree / jnp.maximum(denom, 1.0)
    loss_all = sall / (n_nodes * 3.0)
    loss = jnp.where(denom > 0, loss_free, loss_all)
    loss_r[...] = jnp.broadcast_to(loss, (1, 1))
    u_r[...] = jnp.broadcast_to(0.5 * e_sum, (1, 1))
    w_r[...] = jnp.broadcast_to(w_sum, (1, 1))

  smem = pl.BlockSpec(memory_space=pltpu.MemorySpace.SMEM)
  vmem = pl.BlockSpec(memory_space=pltpu.MemorySpace.VMEM)
  out = pl.pallas_call(
      body,
      in_specs=[smem, smem, vmem, vmem],
      out_specs=[vmem, vmem, vmem, vmem],
      out_shape=[
          jax.ShapeDtypeStruct((1, 1), jnp.float32),
          jax.ShapeDtypeStruct((3, n), jnp.float32),
          jax.ShapeDtypeStruct((1, 1), jnp.float32),
          jax.ShapeDtypeStruct((1, 1), jnp.float32),
      ],
  )(u_c, theta_c, predT, upart)
  return out


def kernel(pred_raw, u_c, theta_c, F_ext, F_c, L_c, bc_disp, connectivity,
           elem_lengths, prop_E, prop_A, prop_I22, elem_directions):
  n = pred_raw.shape[0]
  n_elem = connectivity.shape[0]
  npad = -(-n // NODE_ALIGN) * NODE_ALIGN
  c_sz, chunks, epad = _plan(n_elem)

  pad = epad - n_elem
  zi = jnp.zeros((pad,), jnp.int32)
  zf = jnp.zeros((pad,), jnp.float32)
  nAf = jnp.concatenate([connectivity[:, 0], zi])
  nBf = jnp.concatenate([connectivity[:, 1], zi])
  Lp = jnp.concatenate([elem_lengths, zf + 1.0])
  Ep = jnp.concatenate([prop_E, zf])
  Ap = jnp.concatenate([prop_A, zf])
  Ip = jnp.concatenate([prop_I22, zf])
  cp = jnp.concatenate([elem_directions[:, 0], zf])
  sp_ = jnp.concatenate([elem_directions[:, 2], zf])
  pred8 = jnp.zeros((npad, 4), jnp.float32).at[:n, :3].set(pred_raw)
  pred8 = pred8.reshape(npad // 2, 8)
  nzf = jnp.zeros((npad - n,), jnp.float32)
  fxp = jnp.concatenate([F_ext[:, 0], nzf])
  fzp = jnp.concatenate([F_ext[:, 1], nzf])
  fmp = jnp.concatenate([F_ext[:, 2], nzf])
  bcp = jnp.concatenate([bc_disp[:, 0], nzf + 1.0])

  rfc = 1.0 / F_c
  scal4 = jnp.concatenate([u_c, theta_c, rfc, rfc / L_c]).astype(jnp.float32)
  scal16 = jnp.broadcast_to(scal4[:, None], (4, N_LANES))

  upart = _sc_pass(pred8, scal16, nAf, nBf, Lp, Ep, Ap, Ip, cp, sp_, fxp,
                   fzp, fmp, bcp, npad, c_sz, chunks)
  loss2, uphysT, u2, w2 = _finalize(pred_raw.T, u_c, theta_c, upart, n)
  return (loss2.reshape(()), pred_raw, uphysT.T, u2.reshape(()),
          w2.reshape(()))

# --- scband reference (transcript-rebuilt; emitter-appended) ---
"""Pipeline reference for scband-frame-energy-loss-12146167513811 (READ-ONLY COPY).

The authoritative reference and input builder live on the scoring server;
editing this copy changes nothing except your own understanding.
"""

import jax, jax.numpy as jnp
import numpy as np

N_NODES = 50000
N_ELEM = 800000


def setup_inputs(seed: int = 0):
    key = jax.random.key(seed)
    ks = jax.random.split(key, 12)
    pred_raw = jax.random.normal(ks[0], (N_NODES, 3), dtype=jnp.float32)
    u_c = jax.random.uniform(ks[1], (1,), jnp.float32, 0.5, 1.5)
    theta_c = jax.random.uniform(ks[2], (1,), jnp.float32, 0.5, 1.5)
    F_ext = jax.random.normal(ks[3], (N_NODES, 3), dtype=jnp.float32)
    F_c = jax.random.uniform(ks[4], (1,), jnp.float32, 0.5, 1.5)
    L_c = jax.random.uniform(ks[5], (1,), jnp.float32, 0.5, 1.5)
    bc_disp = jax.random.uniform(ks[6], (N_NODES, 1), jnp.float32)
    connectivity = jax.random.randint(ks[7], (N_ELEM, 2), 0, N_NODES, dtype=jnp.int32)
    elem_lengths = jax.random.uniform(ks[8], (N_ELEM,), jnp.float32, 0.5, 2.0)
    prop_E = jax.random.uniform(ks[9], (N_ELEM,), jnp.float32, 0.5, 1.5)
    prop_A = jax.random.uniform(ks[10], (N_ELEM,), jnp.float32, 0.5, 1.5)
    prop_I22 = jax.random.uniform(ks[11], (N_ELEM,), jnp.float32, 0.5, 1.5)
    kd = jax.random.fold_in(key, 99)
    ang = jax.random.uniform(kd, (N_ELEM,), jnp.float32, 0.0, 2.0 * np.pi)
    elem_directions = jnp.stack([jnp.cos(ang), jnp.zeros_like(ang), jnp.sin(ang)], axis=1)
    return {
        'pred_raw': pred_raw, 'u_c': u_c, 'theta_c': theta_c, 'F_ext': F_ext,
        'F_c': F_c, 'L_c': L_c, 'bc_disp': bc_disp, 'connectivity': connectivity,
        'elem_lengths': elem_lengths, 'prop_E': prop_E, 'prop_A': prop_A,
        'prop_I22': prop_I22, 'elem_directions': elem_directions,
    }


def _element_K_d(u_phys, connectivity, elem_lengths, prop_E, prop_A, prop_I22, elem_directions):
    nA = connectivity[:, 0]
    nB = connectivity[:, 1]
    L = elem_lengths
    EA = prop_E * prop_A
    EI = prop_E * prop_I22
    c = elem_directions[:, 0]
    s = elem_directions[:, 2]
    ux_A = u_phys[nA, 0]; uz_A = u_phys[nA, 1]; th_A = u_phys[nA, 2]
    ux_B = u_phys[nB, 0]; uz_B = u_phys[nB, 1]; th_B = u_phys[nB, 2]
    u_A_loc = c * ux_A + s * uz_A
    w_A_loc = -s * ux_A + c * uz_A
    u_B_loc = c * ux_B + s * uz_B
    w_B_loc = -s * ux_B + c * uz_B
    d_local = jnp.stack([u_A_loc, w_A_loc, -th_A, u_B_loc, w_B_loc, -th_B], axis=1)
    ea_L = EA / L
    ei_L = EI / L
    ei_L2 = EI / L ** 2
    ei_L3 = EI / L ** 3
    z = jnp.zeros_like(ea_L)
    r0 = jnp.stack([ea_L, z, z, -ea_L, z, z], axis=1)
    r1 = jnp.stack([z, 12 * ei_L3, 6 * ei_L2, z, -12 * ei_L3, 6 * ei_L2], axis=1)
    r2 = jnp.stack([z, 6 * ei_L2, 4 * ei_L, z, -6 * ei_L2, 2 * ei_L], axis=1)
    r3 = jnp.stack([-ea_L, z, z, ea_L, z, z], axis=1)
    r4 = jnp.stack([z, -12 * ei_L3, -6 * ei_L2, z, 12 * ei_L3, -6 * ei_L2], axis=1)
    r5 = jnp.stack([z, 6 * ei_L2, 2 * ei_L, z, -6 * ei_L2, 4 * ei_L], axis=1)
    K = jnp.stack([r0, r1, r2, r3, r4, r5], axis=1)
    return K, d_local, c, s, nA, nB


def _assemble_internal_forces(u_phys, connectivity, elem_lengths, prop_E, prop_A, prop_I22, elem_directions):
    K, d_local, c, s, nA, nB = _element_K_d(u_phys, connectivity, elem_lengths, prop_E, prop_A, prop_I22, elem_directions)
    f_local = jnp.einsum('eij,ej->ei', K, d_local)
    fA_x = c * f_local[:, 0] - s * f_local[:, 1]
    fA_z = s * f_local[:, 0] + c * f_local[:, 1]
    fA_my = -f_local[:, 2]
    fB_x = c * f_local[:, 3] - s * f_local[:, 4]
    fB_z = s * f_local[:, 3] + c * f_local[:, 4]
    fB_my = -f_local[:, 5]
    N = u_phys.shape[0]
    F_int = jnp.zeros((N, 3), dtype=u_phys.dtype)
    F_int = F_int.at[nA].add(jnp.stack([fA_x, fA_z, fA_my], axis=1))
    F_int = F_int.at[nB].add(jnp.stack([fB_x, fB_z, fB_my], axis=1))
    return F_int


def _strain_energy(u_phys, connectivity, elem_lengths, prop_E, prop_A, prop_I22, elem_directions):
    K, d_local, c, s, nA, nB = _element_K_d(u_phys, connectivity, elem_lengths, prop_E, prop_A, prop_I22, elem_directions)
    Kd = jnp.einsum('eij,ej->ei', K, d_local)
    return 0.5 * jnp.sum(d_local * Kd)


def reference(pred_raw, u_c, theta_c, F_ext, F_c, L_c, bc_disp, connectivity, elem_lengths, prop_E, prop_A, prop_I22, elem_directions):
    u_phys = jnp.stack([
        pred_raw[:, 0] * u_c[0],
        pred_raw[:, 1] * u_c[0],
        pred_raw[:, 2] * theta_c[0],
    ], axis=1)
    F_int = _assemble_internal_forces(u_phys, connectivity, elem_lengths, prop_E, prop_A, prop_I22, elem_directions)
    residual = F_int + F_ext
    M_c = F_c[0] * L_c[0]
    res_nd = jnp.stack([
        residual[:, 0] / F_c[0],
        residual[:, 1] / F_c[0],
        residual[:, 2] / M_c,
    ], axis=1)
    free_mask = (jnp.squeeze(bc_disp) < 0.5).astype(res_nd.dtype)
    denom = free_mask.sum() * 3.0
    loss_free = jnp.sum(res_nd ** 2 * free_mask[:, None]) / jnp.maximum(denom, 1.0)
    loss_all = jnp.mean(res_nd ** 2)
    loss = jnp.where(denom > 0, loss_free, loss_all)
    U = jax.lax.stop_gradient(_strain_energy(u_phys, connectivity, elem_lengths, prop_E, prop_A, prop_I22, elem_directions))
    W = jax.lax.stop_gradient(jnp.sum(F_ext[:, 0] * u_phys[:, 0] + F_ext[:, 1] * u_phys[:, 1] + F_ext[:, 2] * u_phys[:, 2]))
    return (loss, pred_raw, u_phys, U, W)

if __name__ == "__main__":
    import jax
    _d = setup_inputs()
    print(jax.jit(kernel)(*tuple(_d.values())))

</pallas_src>

<mosaic_0001>
#map = affine_map<(d0, d1) -> (0, 0)>
#map1 = affine_map<(d0, d1) -> (0)>
#map2 = affine_map<(d0, d1) -> (0, 0, 0)>
module attributes {stable_mosaic.version = 14 : i64} {
  func.func @kern(%arg0: i32, %arg1: i32, %arg2: memref<25088x8xf32, #tpu.memory_space<hbm>>, %arg3: memref<16xf32, #tpu.memory_space<hbm>>, %arg4: memref<16xf32, #tpu.memory_space<hbm>>, %arg5: memref<16xf32, #tpu.memory_space<hbm>>, %arg6: memref<16xf32, #tpu.memory_space<hbm>>, %arg7: memref<819200xi32, #tpu.memory_space<hbm>>, %arg8: memref<819200xi32, #tpu.memory_space<hbm>>, %arg9: memref<819200xi32, #tpu.memory_space<hbm>>, %arg10: memref<819200xi32, #tpu.memory_space<hbm>>, %arg11: memref<2x320x2560xi32, #tpu.memory_space<hbm>>, %arg12: memref<2x320x2560xi32, #tpu.memory_space<hbm>>, %arg13: memref<819200xf32, #tpu.memory_space<hbm>>, %arg14: memref<819200xf32, #tpu.memory_space<hbm>>, %arg15: memref<819200xf32, #tpu.memory_space<hbm>>, %arg16: memref<819200xf32, #tpu.memory_space<hbm>>, %arg17: memref<819200xf32, #tpu.memory_space<hbm>>, %arg18: memref<819200xf32, #tpu.memory_space<hbm>>, %arg19: memref<50176xf32, #tpu.memory_space<hbm>>, %arg20: memref<50176xf32, #tpu.memory_space<hbm>>, %arg21: memref<50176xf32, #tpu.memory_space<hbm>>, %arg22: memref<50176xf32, #tpu.memory_space<hbm>>, %arg23: memref<32x5x16xf32, #tpu.memory_space<hbm>>, %arg24: memref<2560xi32, #tpu.memory_space<vmem>>, %arg25: memref<2560xi32, #tpu.memory_space<vmem>>, %arg26: memref<2560xi32, #tpu.memory_space<vmem>>, %arg27: memref<2560xi32, #tpu.memory_space<vmem>>, %arg28: memref<2560xf32, #tpu.memory_space<vmem>>, %arg29: memref<2560xf32, #tpu.memory_space<vmem>>, %arg30: memref<2560xf32, #tpu.memory_space<vmem>>, %arg31: memref<2560xf32, #tpu.memory_space<vmem>>, %arg32: memref<2560xf32, #tpu.memory_space<vmem>>, %arg33: memref<2560xf32, #tpu.memory_space<vmem>>, %arg34: memref<2560x8xf32, #tpu.memory_space<vmem>>, %arg35: memref<2560x8xf32, #tpu.memory_space<vmem>>, %arg36: memref<2560x8xf32, #tpu.memory_space<vmem>>, %arg37: memref<2560x8xf32, #tpu.memory_space<vmem>>, %arg38: memref<2560xi32, #tpu.memory_space<vmem>>, %arg39: memref<2560xi32, #tpu.memory_space<vmem>>, %arg40: memref<16xf32, #tpu.memory_space<vmem>>, %arg41: memref<16xf32, #tpu.memory_space<vmem>>, %arg42: memref<16xf32, #tpu.memory_space<vmem>>, %arg43: memref<16xf32, #tpu.memory_space<vmem>>, %arg44: memref<16xf32, #tpu.memory_space<vmem>>, %arg45: memref<16xf32, #tpu.memory_space<vmem>>, %arg46: memref<16xf32, #tpu.memory_space<vmem>>, %arg47: memref<16xf32, #tpu.memory_space<vmem>>, %arg48: memref<16xf32, #tpu.memory_space<vmem>>, %arg49: memref<25344x8xf32, #tpu.memory_space<vmem_shared>>, %arg50: memref<!tpu.dma_semaphore, #tpu.memory_space<semaphore_mem>>) attributes {dimension_semantics = [#tpu.dimension_semantics<core_parallel>, #tpu.dimension_semantics<subcore_parallel>], iteration_bounds = array<i64: 2, 16>, scalar_prefetch = 0 : i64, scratch_operands = 27 : i64, tpu.core_type = #tpu.core_type<sc_vector_subcore>, window_params = [{transform_indices = #map}, {transform_indices = #map1}, {transform_indices = #map1}, {transform_indices = #map1}, {transform_indices = #map1}, {transform_indices = #map1}, {transform_indices = #map1}, {transform_indices = #map1}, {transform_indices = #map1}, {transform_indices = #map2}, {transform_indices = #map2}, {transform_indices = #map1}, {transform_indices = #map1}, {transform_indices = #map1}, {transform_indices = #map1}, {transform_indices = #map1}, {transform_indices = #map1}, {transform_indices = #map1}, {transform_indices = #map1}, {transform_indices = #map1}, {transform_indices = #map1}, {transform_indices = #map2}]} {
    %mul3A = arith.constant 2 : i32
    %mul3A_0 = arith.muli %arg1, %mul3A : i32
    %add3A = arith.addi %mul3A_0, %arg0 : i32
    "tpu.region"() ({
      %run_scoped3A_75 = tpu.sem_alloc : memref<!tpu.dma_semaphore, #tpu.memory_space<semaphore_mem>>
      tpu.enqueue_dma source(%arg3 : memref<16xf32, #tpu.memory_space<hbm>>) target(%arg40 : memref<16xf32, #tpu.memory_space<vmem>>) target_semaphore(%run_scoped3A_75 : memref<!tpu.dma_semaphore, #tpu.memory_space<semaphore_mem>>)
      tpu.wait_dma2 semaphore(%run_scoped3A_75 : memref<!tpu.dma_semaphore, #tpu.memory_space<semaphore_mem>>) src(%arg3 : memref<16xf32, #tpu.memory_space<hbm>>) dst(%arg40 : memref<16xf32, #tpu.memory_space<vmem>>)
      tpu.yield
    }) : () -> ()
    "tpu.region"() ({
      %run_scoped3A_75 = tpu.sem_alloc : memref<!tpu.dma_semaphore, #tpu.memory_space<semaphore_mem>>
      tpu.enqueue_dma source(%arg4 : memref<16xf32, #tpu.memory_space<hbm>>) target(%arg41 : memref<16xf32, #tpu.memory_space<vmem>>) target_semaphore(%run_scoped3A_75 : memref<!tpu.dma_semaphore, #tpu.memory_space<semaphore_mem>>)
      tpu.wait_dma2 semaphore(%run_scoped3A_75 : memref<!tpu.dma_semaphore, #tpu.memory_space<semaphore_mem>>) src(%arg4 : memref<16xf32, #tpu.memory_space<hbm>>) dst(%arg41 : memref<16xf32, #tpu.memory_space<vmem>>)
      tpu.yield
    }) : () -> ()
    "tpu.region"() ({
      %run_scoped3A_75 = tpu.sem_alloc : memref<!tpu.dma_semaphore, #tpu.memory_space<semaphore_mem>>
      tpu.enqueue_dma source(%arg5 : memref<16xf32, #tpu.memory_space<hbm>>) target(%arg42 : memref<16xf32, #tpu.memory_space<vmem>>) target_semaphore(%run_scoped3A_75 : memref<!tpu.dma_semaphore, #tpu.memory_space<semaphore_mem>>)
      tpu.wait_dma2 semaphore(%run_scoped3A_75 : memref<!tpu.dma_semaphore, #tpu.memory_space<semaphore_mem>>) src(%arg5 : memref<16xf32, #tpu.memory_space<hbm>>) dst(%arg42 : memref<16xf32, #tpu.memory_space<vmem>>)
      tpu.yield
    }) : () -> ()
    "tpu.region"() ({
      %run_scoped3A_75 = tpu.sem_alloc : memref<!tpu.dma_semaphore, #tpu.memory_space<semaphore_mem>>
      tpu.enqueue_dma source(%arg6 : memref<16xf32, #tpu.memory_space<hbm>>) target(%arg43 : memref<16xf32, #tpu.memory_space<vmem>>) target_semaphore(%run_scoped3A_75 : memref<!tpu.dma_semaphore, #tpu.memory_space<semaphore_mem>>)
      tpu.wait_dma2 semaphore(%run_scoped3A_75 : memref<!tpu.dma_semaphore, #tpu.memory_space<semaphore_mem>>) src(%arg6 : memref<16xf32, #tpu.memory_space<hbm>>) dst(%arg43 : memref<16xf32, #tpu.memory_space<vmem>>)
      tpu.yield
    }) : () -> ()
    %iota3A = tpu.iota {dimensions = array<i32: 0>} : vector<16xi32>
    %get3A = arith.constant 0 : index
    %get3A_1 = tpu.vector_load %arg40[%get3A] {strides = array<i32>} : memref<16xf32, #tpu.memory_space<vmem>>, vector<16xf32>,
    %get3A_2 = arith.constant 0 : index
    %get3A_3 = tpu.vector_load %arg41[%get3A_2] {strides = array<i32>} : memref<16xf32, #tpu.memory_space<vmem>>, vector<16xf32>,
    %get3A_4 = arith.constant 0 : index
    %get3A_5 = tpu.vector_load %arg42[%get3A_4] {strides = array<i32>} : memref<16xf32, #tpu.memory_space<vmem>>, vector<16xf32>,
    %get3A_6 = arith.constant 0 : index
    %get3A_7 = tpu.vector_load %arg43[%get3A_6] {strides = array<i32>} : memref<16xf32, #tpu.memory_space<vmem>>, vector<16xf32>,
    %broadcast_in_dim3A = arith.constant 0.000000e+00 : f32
    %broadcast_in_dim3A_8 = vector.broadcast %broadcast_in_dim3A : f32 to vector<16xf32>
    %broadcast_in_dim3A_9 = vector.broadcast %arg0 : i32 to vector<16xi32>
    %eq3A = arith.constant 0 : i32
    %eq3A_10 = vector.broadcast %eq3A : i32 to vector<16xi32>
    %eq3A_11 = arith.cmpi eq, %broadcast_in_dim3A_9, %eq3A_10 : vector<16xi32>
    %jit3A = arith.constant 1.000000e+00 : f32
    %jit3A_12 = arith.constant 0.000000e+00 : f32
    %broadcast_in_dim3A_13 = vector.broadcast %jit3A : f32 to vector<16xf32>
    %broadcast_in_dim3A_14 = vector.broadcast %jit3A_12 : f32 to vector<16xf32>
    %select_n3A = arith.select %eq3A_11, %broadcast_in_dim3A_13, %broadcast_in_dim3A_14 : vector<16xi1>, vector<16xf32>
    %scan3A = arith.constant 0 : i32
    %scan3A_15 = arith.constant 0 : i32
    %scan3A_16 = arith.constant 1280 : i32
    %scan3A_17 = arith.addi %scan3A_15, %scan3A_16 : i32
    %scan3A_18 = arith.constant 1 : i32
    scf.for %scan3A_75 = %scan3A_15 to %scan3A_17 step %scan3A_18  : i32 {
      %mul3A_76 = arith.constant 16 : i32
      %mul3A_77 = arith.muli %scan3A_75, %mul3A_76 : i32
      %add3A_78 = vector.broadcast %mul3A_77 : i32 to vector<16xi32>
      %add3A_79 = arith.addi %add3A_78, %iota3A : vector<16xi32>
      %shift_right_logical3A = arith.constant 3 : i32
      %shift_right_logical3A_80 = vector.broadcast %shift_right_logical3A : i32 to vector<16xi32>
      %shift_right_logical3A_81 = arith.shrui %add3A_79, %shift_right_logical3A_80 : vector<16xi32>
      %and3A_82 = arith.constant 7 : i32
      %and3A_83 = vector.broadcast %and3A_82 : i32 to vector<16xi32>
      %and3A_84 = arith.andi %add3A_79, %and3A_83 : vector<16xi32>
      tpu.vector_store_idx %arg36[%shift_right_logical3A_81, %and3A_84], %broadcast_in_dim3A_8 : memref<2560x8xf32, #tpu.memory_space<vmem>>[vector<16xi32>, vector<16xi32>], vector<16xf32>,
      tpu.vector_store_idx %arg37[%shift_right_logical3A_81, %and3A_84], %broadcast_in_dim3A_8 : memref<2560x8xf32, #tpu.memory_space<vmem>>[vector<16xi32>, vector<16xi32>], vector<16xf32>,
    }
    %scan3A_19 = arith.constant 1280 : i32
    %mul3A_20 = arith.constant 792 : i32
    %mul3A_21 = arith.muli %arg1, %mul3A_20 : i32
    "tpu.region"() ({
      %run_scoped3A_75 = tpu.sem_alloc : memref<!tpu.dma_semaphore, #tpu.memory_space<semaphore_mem>>
      %dma_start3A = arith.constant 0 : i32
      %dma_start3A_76 = arith.constant 0 : i32
      %dma_start3A_77 = tpu.memref_slice %arg36[%dma_start3A, %dma_start3A_76] : memref<2560x8xf32, #tpu.memory_space<vmem>> -> memref<792x8xf32, #tpu.memory_space<vmem>>
      %dma_start3A_78 = arith.constant 0 : i32
      %dma_start3A_79 = tpu.memref_slice %arg49[%mul3A_21, %dma_start3A_78] : memref<25344x8xf32, #tpu.memory_space<vmem_shared>> -> memref<792x8xf32, #tpu.memory_space<vmem_shared>>
      %dma_start3A_80 = arith.constant 0 : i32
      %dma_start3A_81 = tpu.memref_slice %arg49[%mul3A_21, %dma_start3A_80] : memref<25344x8xf32, #tpu.memory_space<vmem_shared>> -> memref<792x8xf32, #tpu.memory_space<vmem_shared>>
      %dma_start3A_82 = arith.constant 0 : i32
      %dma_start3A_83 = arith.constant 0 : i32
      %dma_start3A_84 = tpu.memref_slice %arg36[%dma_start3A_82, %dma_start3A_83] : memref<2560x8xf32, #tpu.memory_space<vmem>> -> memref<792x8xf32, #tpu.memory_space<vmem>>
      tpu.enqueue_dma source(%dma_start3A_84 : memref<792x8xf32, #tpu.memory_space<vmem>>) target(%dma_start3A_81 : memref<792x8xf32, #tpu.memory_space<vmem_shared>>) target_semaphore(%run_scoped3A_75 : memref<!tpu.dma_semaphore, #tpu.memory_space<semaphore_mem>>)
      %dma_wait3A = arith.constant 0 : i32
      %dma_wait3A_85 = arith.constant 0 : i32
      %dma_wait3A_86 = tpu.memref_slice %arg36[%dma_wait3A, %dma_wait3A_85] : memref<2560x8xf32, #tpu.memory_space<vmem>> -> memref<792x8xf32, #tpu.memory_space<vmem>>
      %dma_wait3A_87 = arith.constant 0 : i32
      %dma_wait3A_88 = tpu.memref_slice %arg49[%mul3A_21, %dma_wait3A_87] : memref<25344x8xf32, #tpu.memory_space<vmem_shared>> -> memref<792x8xf32, #tpu.memory_space<vmem_shared>>
      %dma_wait3A_89 = arith.constant 0 : i32
      %dma_wait3A_90 = tpu.memref_slice %arg49[%mul3A_21, %dma_wait3A_89] : memref<25344x8xf32, #tpu.memory_space<vmem_shared>> -> memref<792x8xf32, #tpu.memory_space<vmem_shared>>
      %dma_wait3A_91 = arith.constant 0 : i32
      %dma_wait3A_92 = arith.constant 0 : i32
      %dma_wait3A_93 = tpu.memref_slice %arg36[%dma_wait3A_91, %dma_wait3A_92] : memref<2560x8xf32, #tpu.memory_space<vmem>> -> memref<792x8xf32, #tpu.memory_space<vmem>>
      tpu.wait_dma2 semaphore(%run_scoped3A_75 : memref<!tpu.dma_semaphore, #tpu.memory_space<semaphore_mem>>) src(%dma_wait3A_93 : memref<792x8xf32, #tpu.memory_space<vmem>>) dst(%dma_wait3A_90 : memref<792x8xf32, #tpu.memory_space<vmem_shared>>)
      tpu.yield
    }) : () -> ()
    %swap3A = arith.constant 0 : index
    %swap3A_22 = tpu.vector_load %arg44[%swap3A] {strides = array<i32>} : memref<16xf32, #tpu.memory_space<vmem>>, vector<16xf32>,
    tpu.vector_store %arg44[%swap3A], %broadcast_in_dim3A_8 {strides = array<i32>} : memref<16xf32, #tpu.memory_space<vmem>>, vector<16xf32>,
    %swap3A_23 = arith.constant 0 : index
    %swap3A_24 = tpu.vector_load %arg45[%swap3A_23] {strides = array<i32>} : memref<16xf32, #tpu.memory_space<vmem>>, vector<16xf32>,
    tpu.vector_store %arg45[%swap3A_23], %broadcast_in_dim3A_8 {strides = array<i32>} : memref<16xf32, #tpu.memory_space<vmem>>, vector<16xf32>,
    %swap3A_25 = arith.constant 0 : index
    %swap3A_26 = tpu.vector_load %arg46[%swap3A_25] {strides = array<i32>} : memref<16xf32, #tpu.memory_space<vmem>>, vector<16xf32>,
    tpu.vector_store %arg46[%swap3A_25], %broadcast_in_dim3A_8 {strides = array<i32>} : memref<16xf32, #tpu.memory_space<vmem>>, vector<16xf32>,
    %swap3A_27 = arith.constant 0 : index
    %swap3A_28 = tpu.vector_load %arg47[%swap3A_27] {strides = array<i32>} : memref<16xf32, #tpu.memory_space<vmem>>, vector<16xf32>,
    tpu.vector_store %arg47[%swap3A_27], %broadcast_in_dim3A_8 {strides = array<i32>} : memref<16xf32, #tpu.memory_space<vmem>>, vector<16xf32>,
    %swap3A_29 = arith.constant 0 : index
    %swap3A_30 = tpu.vector_load %arg48[%swap3A_29] {strides = array<i32>} : memref<16xf32, #tpu.memory_space<vmem>>, vector<16xf32>,
    tpu.vector_store %arg48[%swap3A_29], %broadcast_in_dim3A_8 {strides = array<i32>} : memref<16xf32, #tpu.memory_space<vmem>>, vector<16xf32>,
    %barrier3A = arith.constant 0 : index
    tpu.barrier barrier_id(%barrier3A)
    %mul3A_31 = arith.constant 25088 : i32
    %mul3A_32 = arith.muli %arg0, %mul3A_31 : i32
    %mul3A_33 = arith.constant 51200 : i32
    %mul3A_34 = arith.muli %arg1, %mul3A_33 : i32
    %scan3A_35 = arith.constant 0 : i32
    %scan3A_36 = arith.constant 0 : i32
    %scan3A_37 = arith.constant 20 : i32
    %scan3A_38 = arith.addi %scan3A_36, %scan3A_37 : i32
    %scan3A_39 = arith.constant 1 : i32
    scf.for %scan3A_75 = %scan3A_36 to %scan3A_38 step %scan3A_39  : i32 {
      %mul3A_76 = arith.constant 2560 : i32
      %mul3A_77 = arith.muli %scan3A_75, %mul3A_76 : i32
      %add3A_78 = arith.addi %mul3A_34, %mul3A_77 : i32
      "tpu.region"() ({
        %run_scoped3A_98 = tpu.sem_alloc : memref<!tpu.dma_semaphore, #tpu.memory_space<semaphore_mem>>
        %dma_start3A_99 = tpu.memref_slice %arg13[%add3A_78] : memref<819200xf32, #tpu.memory_space<hbm>> -> memref<2560xf32, #tpu.memory_space<hbm>>
        %dma_start3A_100 = tpu.memref_slice %arg13[%add3A_78] : memref<819200xf32, #tpu.memory_space<hbm>> -> memref<2560xf32, #tpu.memory_space<hbm>>
        tpu.enqueue_dma source(%dma_start3A_100 : memref<2560xf32, #tpu.memory_space<hbm>>) target(%arg28 : memref<2560xf32, #tpu.memory_space<vmem>>) target_semaphore(%run_scoped3A_98 : memref<!tpu.dma_semaphore, #tpu.memory_space<semaphore_mem>>)
        %dma_wait3A_101 = tpu.memref_slice %arg13[%add3A_78] : memref<819200xf32, #tpu.memory_space<hbm>> -> memref<2560xf32, #tpu.memory_space<hbm>>
        %dma_wait3A_102 = tpu.memref_slice %arg13[%add3A_78] : memref<819200xf32, #tpu.memory_space<hbm>> -> memref<2560xf32, #tpu.memory_space<hbm>>
        tpu.wait_dma2 semaphore(%run_scoped3A_98 : memref<!tpu.dma_semaphore, #tpu.memory_space<semaphore_mem>>) src(%dma_wait3A_102 : memref<2560xf32, #tpu.memory_space<hbm>>) dst(%arg28 : memref<2560xf32, #tpu.memory_space<vmem>>)
        tpu.yield
      }) : () -> ()
      "tpu.region"() ({
        %run_scoped3A_98 = tpu.sem_alloc : memref<!tpu.dma_semaphore, #tpu.memory_space<semaphore_mem>>
        %dma_start3A_99 = tpu.memref_slice %arg14[%add3A_78] : memref<819200xf32, #tpu.memory_space<hbm>> -> memref<2560xf32, #tpu.memory_space<hbm>>
        %dma_start3A_100 = tpu.memref_slice %arg14[%add3A_78] : memref<819200xf32, #tpu.memory_space<hbm>> -> memref<2560xf32, #tpu.memory_space<hbm>>
        tpu.enqueue_dma source(%dma_start3A_100 : memref<2560xf32, #tpu.memory_space<hbm>>) target(%arg29 : memref<2560xf32, #tpu.memory_space<vmem>>) target_semaphore(%run_scoped3A_98 : memref<!tpu.dma_semaphore, #tpu.memory_space<semaphore_mem>>)
        %dma_wait3A_101 = tpu.memref_slice %arg14[%add3A_78] : memref<819200xf32, #tpu.memory_space<hbm>> -> memref<2560xf32, #tpu.memory_space<hbm>>
        %dma_wait3A_102 = tpu.memref_slice %arg14[%add3A_78] : memref<819200xf32, #tpu.memory_space<hbm>> -> memref<2560xf32, #tpu.memory_space<hbm>>
        tpu.wait_dma2 semaphore(%run_scoped3A_98 : memref<!tpu.dma_semaphore, #tpu.memory_space<semaphore_mem>>) src(%dma_wait3A_102 : memref<2560xf32, #tpu.memory_space<hbm>>) dst(%arg29 : memref<2560xf32, #tpu.memory_space<vmem>>)
        tpu.yield
      }) : () -> ()
      "tpu.region"() ({
        %run_scoped3A_98 = tpu.sem_alloc : memref<!tpu.dma_semaphore, #tpu.memory_space<semaphore_mem>>
        %dma_start3A_99 = tpu.memref_slice %arg15[%add3A_78] : memref<819200xf32, #tpu.memory_space<hbm>> -> memref<2560xf32, #tpu.memory_space<hbm>>
        %dma_start3A_100 = tpu.memref_slice %arg15[%add3A_78] : memref<819200xf32, #tpu.memory_space<hbm>> -> memref<2560xf32, #tpu.memory_space<hbm>>
        tpu.enqueue_dma source(%dma_start3A_100 : memref<2560xf32, #tpu.memory_space<hbm>>) target(%arg30 : memref<2560xf32, #tpu.memory_space<vmem>>) target_semaphore(%run_scoped3A_98 : memref<!tpu.dma_semaphore, #tpu.memory_space<semaphore_mem>>)
        %dma_wait3A_101 = tpu.memref_slice %arg15[%add3A_78] : memref<819200xf32, #tpu.memory_space<hbm>> -> memref<2560xf32, #tpu.memory_space<hbm>>
        %dma_wait3A_102 = tpu.memref_slice %arg15[%add3A_78] : memref<819200xf32, #tpu.memory_space<hbm>> -> memref<2560xf32, #tpu.memory_space<hbm>>
        tpu.wait_dma2 semaphore(%run_scoped3A_98 : memref<!tpu.dma_semaphore, #tpu.memory_space<semaphore_mem>>) src(%dma_wait3A_102 : memref<2560xf32, #tpu.memory_space<hbm>>) dst(%arg30 : memref<2560xf32, #tpu.memory_space<vmem>>)
        tpu.yield
      }) : () -> ()
      "tpu.region"() ({
        %run_scoped3A_98 = tpu.sem_alloc : memref<!tpu.dma_semaphore, #tpu.memory_space<semaphore_mem>>
        %dma_start3A_99 = tpu.memref_slice %arg16[%add3A_78] : memref<819200xf32, #tpu.memory_space<hbm>> -> memref<2560xf32, #tpu.memory_space<hbm>>
        %dma_start3A_100 = tpu.memref_slice %arg16[%add3A_78] : memref<819200xf32, #tpu.memory_space<hbm>> -> memref<2560xf32, #tpu.memory_space<hbm>>
        tpu.enqueue_dma source(%dma_start3A_100 : memref<2560xf32, #tpu.memory_space<hbm>>) target(%arg31 : memref<2560xf32, #tpu.memory_space<vmem>>) target_semaphore(%run_scoped3A_98 : memref<!tpu.dma_semaphore, #tpu.memory_space<semaphore_mem>>)
        %dma_wait3A_101 = tpu.memref_slice %arg16[%add3A_78] : memref<819200xf32, #tpu.memory_space<hbm>> -> memref<2560xf32, #tpu.memory_space<hbm>>
        %dma_wait3A_102 = tpu.memref_slice %arg16[%add3A_78] : memref<819200xf32, #tpu.memory_space<hbm>> -> memref<2560xf32, #tpu.memory_space<hbm>>
        tpu.wait_dma2 semaphore(%run_scoped3A_98 : memref<!tpu.dma_semaphore, #tpu.memory_space<semaphore_mem>>) src(%dma_wait3A_102 : memref<2560xf32, #tpu.memory_space<hbm>>) dst(%arg31 : memref<2560xf32, #tpu.memory_space<vmem>>)
        tpu.yield
      }) : () -> ()
      "tpu.region"() ({
        %run_scoped3A_98 = tpu.sem_alloc : memref<!tpu.dma_semaphore, #tpu.memory_space<semaphore_mem>>
        %dma_start3A_99 = tpu.memref_slice %arg17[%add3A_78] : memref<819200xf32, #tpu.memory_space<hbm>> -> memref<2560xf32, #tpu.memory_space<hbm>>
        %dma_start3A_100 = tpu.memref_slice %arg17[%add3A_78] : memref<819200xf32, #tpu.memory_space<hbm>> -> memref<2560xf32, #tpu.memory_space<hbm>>
        tpu.enqueue_dma source(%dma_start3A_100 : memref<2560xf32, #tpu.memory_space<hbm>>) target(%arg32 : memref<2560xf32, #tpu.memory_space<vmem>>) target_semaphore(%run_scoped3A_98 : memref<!tpu.dma_semaphore, #tpu.memory_space<semaphore_mem>>)
        %dma_wait3A_101 = tpu.memref_slice %arg17[%add3A_78] : memref<819200xf32, #tpu.memory_space<hbm>> -> memref<2560xf32, #tpu.memory_space<hbm>>
        %dma_wait3A_102 = tpu.memref_slice %arg17[%add3A_78] : memref<819200xf32, #tpu.memory_space<hbm>> -> memref<2560xf32, #tpu.memory_space<hbm>>
        tpu.wait_dma2 semaphore(%run_scoped3A_98 : memref<!tpu.dma_semaphore, #tpu.memory_space<semaphore_mem>>) src(%dma_wait3A_102 : memref<2560xf32, #tpu.memory_space<hbm>>) dst(%arg32 : memref<2560xf32, #tpu.memory_space<vmem>>)
        tpu.yield
      }) : () -> ()
      "tpu.region"() ({
        %run_scoped3A_98 = tpu.sem_alloc : memref<!tpu.dma_semaphore, #tpu.memory_space<semaphore_mem>>
        %dma_start3A_99 = tpu.memref_slice %arg18[%add3A_78] : memref<819200xf32, #tpu.memory_space<hbm>> -> memref<2560xf32, #tpu.memory_space<hbm>>
        %dma_start3A_100 = tpu.memref_slice %arg18[%add3A_78] : memref<819200xf32, #tpu.memory_space<hbm>> -> memref<2560xf32, #tpu.memory_space<hbm>>
        tpu.enqueue_dma source(%dma_start3A_100 : memref<2560xf32, #tpu.memory_space<hbm>>) target(%arg33 : memref<2560xf32, #tpu.memory_space<vmem>>) target_semaphore(%run_scoped3A_98 : memref<!tpu.dma_semaphore, #tpu.memory_space<semaphore_mem>>)
        %dma_wait3A_101 = tpu.memref_slice %arg18[%add3A_78] : memref<819200xf32, #tpu.memory_space<hbm>> -> memref<2560xf32, #tpu.memory_space<hbm>>
        %dma_wait3A_102 = tpu.memref_slice %arg18[%add3A_78] : memref<819200xf32, #tpu.memory_space<hbm>> -> memref<2560xf32, #tpu.memory_space<hbm>>
        tpu.wait_dma2 semaphore(%run_scoped3A_98 : memref<!tpu.dma_semaphore, #tpu.memory_space<semaphore_mem>>) src(%dma_wait3A_102 : memref<2560xf32, #tpu.memory_space<hbm>>) dst(%arg33 : memref<2560xf32, #tpu.memory_space<vmem>>)
        tpu.yield
      }) : () -> ()
      "tpu.region"() ({
        %run_scoped3A_98 = tpu.sem_alloc : memref<!tpu.dma_semaphore, #tpu.memory_space<semaphore_mem>>
        %dma_start3A_99 = tpu.memref_slice %arg7[%add3A_78] : memref<819200xi32, #tpu.memory_space<hbm>> -> memref<2560xi32, #tpu.memory_space<hbm>>
        %dma_start3A_100 = tpu.memref_slice %arg7[%add3A_78] : memref<819200xi32, #tpu.memory_space<hbm>> -> memref<2560xi32, #tpu.memory_space<hbm>>
        tpu.enqueue_dma source(%dma_start3A_100 : memref<2560xi32, #tpu.memory_space<hbm>>) target(%arg24 : memref<2560xi32, #tpu.memory_space<vmem>>) target_semaphore(%run_scoped3A_98 : memref<!tpu.dma_semaphore, #tpu.memory_space<semaphore_mem>>)
        %dma_wait3A_101 = tpu.memref_slice %arg7[%add3A_78] : memref<819200xi32, #tpu.memory_space<hbm>> -> memref<2560xi32, #tpu.memory_space<hbm>>
        %dma_wait3A_102 = tpu.memref_slice %arg7[%add3A_78] : memref<819200xi32, #tpu.memory_space<hbm>> -> memref<2560xi32, #tpu.memory_space<hbm>>
        tpu.wait_dma2 semaphore(%run_scoped3A_98 : memref<!tpu.dma_semaphore, #tpu.memory_space<semaphore_mem>>) src(%dma_wait3A_102 : memref<2560xi32, #tpu.memory_space<hbm>>) dst(%arg24 : memref<2560xi32, #tpu.memory_space<vmem>>)
        tpu.yield
      }) : () -> ()
      "tpu.region"() ({
        %run_scoped3A_98 = tpu.sem_alloc : memref<!tpu.dma_semaphore, #tpu.memory_space<semaphore_mem>>
        %dma_start3A_99 = tpu.memref_slice %arg8[%add3A_78] : memref<819200xi32, #tpu.memory_space<hbm>> -> memref<2560xi32, #tpu.memory_space<hbm>>
        %dma_start3A_100 = tpu.memref_slice %arg8[%add3A_78] : memref<819200xi32, #tpu.memory_space<hbm>> -> memref<2560xi32, #tpu.memory_space<hbm>>
        tpu.enqueue_dma source(%dma_start3A_100 : memref<2560xi32, #tpu.memory_space<hbm>>) target(%arg25 : memref<2560xi32, #tpu.memory_space<vmem>>) target_semaphore(%run_scoped3A_98 : memref<!tpu.dma_semaphore, #tpu.memory_space<semaphore_mem>>)
        %dma_wait3A_101 = tpu.memref_slice %arg8[%add3A_78] : memref<819200xi32, #tpu.memory_space<hbm>> -> memref<2560xi32, #tpu.memory_space<hbm>>
        %dma_wait3A_102 = tpu.memref_slice %arg8[%add3A_78] : memref<819200xi32, #tpu.memory_space<hbm>> -> memref<2560xi32, #tpu.memory_space<hbm>>
        tpu.wait_dma2 semaphore(%run_scoped3A_98 : memref<!tpu.dma_semaphore, #tpu.memory_space<semaphore_mem>>) src(%dma_wait3A_102 : memref<2560xi32, #tpu.memory_space<hbm>>) dst(%arg25 : memref<2560xi32, #tpu.memory_space<vmem>>)
        tpu.yield
      }) : () -> ()
      "tpu.region"() ({
        %run_scoped3A_98 = tpu.sem_alloc : memref<!tpu.dma_semaphore, #tpu.memory_space<semaphore_mem>>
        %dma_start3A_99 = tpu.memref_slice %arg9[%add3A_78] : memref<819200xi32, #tpu.memory_space<hbm>> -> memref<2560xi32, #tpu.memory_space<hbm>>
        %dma_start3A_100 = tpu.memref_slice %arg9[%add3A_78] : memref<819200xi32, #tpu.memory_space<hbm>> -> memref<2560xi32, #tpu.memory_space<hbm>>
        tpu.enqueue_dma source(%dma_start3A_100 : memref<2560xi32, #tpu.memory_space<hbm>>) target(%arg38 : memref<2560xi32, #tpu.memory_space<vmem>>) target_semaphore(%run_scoped3A_98 : memref<!tpu.dma_semaphore, #tpu.memory_space<semaphore_mem>>)
        %dma_wait3A_101 = tpu.memref_slice %arg9[%add3A_78] : memref<819200xi32, #tpu.memory_space<hbm>> -> memref<2560xi32, #tpu.memory_space<hbm>>
        %dma_wait3A_102 = tpu.memref_slice %arg9[%add3A_78] : memref<819200xi32, #tpu.memory_space<hbm>> -> memref<2560xi32, #tpu.memory_space<hbm>>
        tpu.wait_dma2 semaphore(%run_scoped3A_98 : memref<!tpu.dma_semaphore, #tpu.memory_space<semaphore_mem>>) src(%dma_wait3A_102 : memref<2560xi32, #tpu.memory_space<hbm>>) dst(%arg38 : memref<2560xi32, #tpu.memory_space<vmem>>)
        tpu.yield
      }) : () -> ()
      "tpu.region"() ({
        %run_scoped3A_98 = tpu.sem_alloc : memref<!tpu.dma_semaphore, #tpu.memory_space<semaphore_mem>>
        %dma_start3A_99 = tpu.memref_slice %arg10[%add3A_78] : memref<819200xi32, #tpu.memory_space<hbm>> -> memref<2560xi32, #tpu.memory_space<hbm>>
        %dma_start3A_100 = tpu.memref_slice %arg10[%add3A_78] : memref<819200xi32, #tpu.memory_space<hbm>> -> memref<2560xi32, #tpu.memory_space<hbm>>
        tpu.enqueue_dma source(%dma_start3A_100 : memref<2560xi32, #tpu.memory_space<hbm>>) target(%arg39 : memref<2560xi32, #tpu.memory_space<vmem>>) target_semaphore(%run_scoped3A_98 : memref<!tpu.dma_semaphore, #tpu.memory_space<semaphore_mem>>)
        %dma_wait3A_101 = tpu.memref_slice %arg10[%add3A_78] : memref<819200xi32, #tpu.memory_space<hbm>> -> memref<2560xi32, #tpu.memory_space<hbm>>
        %dma_wait3A_102 = tpu.memref_slice %arg10[%add3A_78] : memref<819200xi32, #tpu.memory_space<hbm>> -> memref<2560xi32, #tpu.memory_space<hbm>>
        tpu.wait_dma2 semaphore(%run_scoped3A_98 : memref<!tpu.dma_semaphore, #tpu.memory_space<semaphore_mem>>) src(%dma_wait3A_102 : memref<2560xi32, #tpu.memory_space<hbm>>) dst(%arg39 : memref<2560xi32, #tpu.memory_space<vmem>>)
        tpu.yield
      }) : () -> ()
      %mul3A_79 = arith.constant 20 : i32
      %mul3A_80 = arith.muli %arg1, %mul3A_79 : i32
      %add3A_81 = arith.addi %mul3A_80, %scan3A_75 : i32
      "tpu.region"() ({
        %run_scoped3A_98 = tpu.sem_alloc : memref<!tpu.dma_semaphore, #tpu.memory_space<semaphore_mem>>
        %dma_start3A_99 = arith.constant 0 : i32
        %dma_start3A_100 = tpu.memref_slice %arg11[%arg0, %add3A_81, %dma_start3A_99] : memref<2x320x2560xi32, #tpu.memory_space<hbm>> -> memref<1x1x2560xi32, #tpu.memory_space<hbm>>
        %dma_start3A_101 = tpu.memref_squeeze %dma_start3A_100 : memref<1x1x2560xi32, #tpu.memory_space<hbm>> -> memref<2560xi32, #tpu.memory_space<hbm>>
        %dma_start3A_102 = arith.constant 0 : i32
        %dma_start3A_103 = tpu.memref_slice %arg11[%arg0, %add3A_81, %dma_start3A_102] : memref<2x320x2560xi32, #tpu.memory_space<hbm>> -> memref<1x1x2560xi32, #tpu.memory_space<hbm>>
        %dma_start3A_104 = tpu.memref_squeeze %dma_start3A_103 : memref<1x1x2560xi32, #tpu.memory_space<hbm>> -> memref<2560xi32, #tpu.memory_space<hbm>>
        tpu.enqueue_dma source(%dma_start3A_104 : memref<2560xi32, #tpu.memory_space<hbm>>) target(%arg26 : memref<2560xi32, #tpu.memory_space<vmem>>) target_semaphore(%run_scoped3A_98 : memref<!tpu.dma_semaphore, #tpu.memory_space<semaphore_mem>>)
        %dma_wait3A_105 = arith.constant 0 : i32
        %dma_wait3A_106 = tpu.memref_slice %arg11[%arg0, %add3A_81, %dma_wait3A_105] : memref<2x320x2560xi32, #tpu.memory_space<hbm>> -> memref<1x1x2560xi32, #tpu.memory_space<hbm>>
        %dma_wait3A_107 = tpu.memref_squeeze %dma_wait3A_106 : memref<1x1x2560xi32, #tpu.memory_space<hbm>> -> memref<2560xi32, #tpu.memory_space<hbm>>
        %dma_wait3A_108 = arith.constant 0 : i32
        %dma_wait3A_109 = tpu.memref_slice %arg11[%arg0, %add3A_81, %dma_wait3A_108] : memref<2x320x2560xi32, #tpu.memory_space<hbm>> -> memref<1x1x2560xi32, #tpu.memory_space<hbm>>
        %dma_wait3A_110 = tpu.memref_squeeze %dma_wait3A_109 : memref<1x1x2560xi32, #tpu.memory_space<hbm>> -> memref<2560xi32, #tpu.memory_space<hbm>>
        tpu.wait_dma2 semaphore(%run_scoped3A_98 : memref<!tpu.dma_semaphore, #tpu.memory_space<semaphore_mem>>) src(%dma_wait3A_110 : memref<2560xi32, #tpu.memory_space<hbm>>) dst(%arg26 : memref<2560xi32, #tpu.memory_space<vmem>>)
        tpu.yield
      }) : () -> ()
      "tpu.region"() ({
        %run_scoped3A_98 = tpu.sem_alloc : memref<!tpu.dma_semaphore, #tpu.memory_space<semaphore_mem>>
        %dma_start3A_99 = arith.constant 0 : i32
        %dma_start3A_100 = tpu.memref_slice %arg12[%arg0, %add3A_81, %dma_start3A_99] : memref<2x320x2560xi32, #tpu.memory_space<hbm>> -> memref<1x1x2560xi32, #tpu.memory_space<hbm>>
        %dma_start3A_101 = tpu.memref_squeeze %dma_start3A_100 : memref<1x1x2560xi32, #tpu.memory_space<hbm>> -> memref<2560xi32, #tpu.memory_space<hbm>>
        %dma_start3A_102 = arith.constant 0 : i32
        %dma_start3A_103 = tpu.memref_slice %arg12[%arg0, %add3A_81, %dma_start3A_102] : memref<2x320x2560xi32, #tpu.memory_space<hbm>> -> memref<1x1x2560xi32, #tpu.memory_space<hbm>>
        %dma_start3A_104 = tpu.memref_squeeze %dma_start3A_103 : memref<1x1x2560xi32, #tpu.memory_space<hbm>> -> memref<2560xi32, #tpu.memory_space<hbm>>
        tpu.enqueue_dma source(%dma_start3A_104 : memref<2560xi32, #tpu.memory_space<hbm>>) target(%arg27 : memref<2560xi32, #tpu.memory_space<vmem>>) target_semaphore(%run_scoped3A_98 : memref<!tpu.dma_semaphore, #tpu.memory_space<semaphore_mem>>)
        %dma_wait3A_105 = arith.constant 0 : i32
        %dma_wait3A_106 = tpu.memref_slice %arg12[%arg0, %add3A_81, %dma_wait3A_105] : memref<2x320x2560xi32, #tpu.memory_space<hbm>> -> memref<1x1x2560xi32, #tpu.memory_space<hbm>>
        %dma_wait3A_107 = tpu.memref_squeeze %dma_wait3A_106 : memref<1x1x2560xi32, #tpu.memory_space<hbm>> -> memref<2560xi32, #tpu.memory_space<hbm>>
        %dma_wait3A_108 = arith.constant 0 : i32
        %dma_wait3A_109 = tpu.memref_slice %arg12[%arg0, %add3A_81, %dma_wait3A_108] : memref<2x320x2560xi32, #tpu.memory_space<hbm>> -> memref<1x1x2560xi32, #tpu.memory_space<hbm>>
        %dma_wait3A_110 = tpu.memref_squeeze %dma_wait3A_109 : memref<1x1x2560xi32, #tpu.memory_space<hbm>> -> memref<2560xi32, #tpu.memory_space<hbm>>
        tpu.wait_dma2 semaphore(%run_scoped3A_98 : memref<!tpu.dma_semaphore, #tpu.memory_space<semaphore_mem>>) src(%dma_wait3A_110 : memref<2560xi32, #tpu.memory_space<hbm>>) dst(%arg27 : memref<2560xi32, #tpu.memory_space<vmem>>)
        tpu.yield
      }) : () -> ()
      %dma_start3A = arith.constant 0 : i32
      %dma_start3A_82 = arith.constant 0 : i32
      %dma_start3A_83 = tpu.memref_slice %arg2[%dma_start3A, %dma_start3A_82] : memref<25088x8xf32, #tpu.memory_space<hbm>> -> memref<25088x8xf32, #tpu.memory_space<hbm>>
      tpu.enqueue_indirect_dma source(%dma_start3A_83 : memref<25088x8xf32, #tpu.memory_space<hbm>>) target(%arg34 : memref<2560x8xf32, #tpu.memory_space<vmem>>) offsets(%arg24 : memref<2560xi32, #tpu.memory_space<vmem>>) semaphore(%arg50 : memref<!tpu.dma_semaphore, #tpu.memory_space<semaphore_mem>>)
      %dma_start3A_84 = arith.constant 0 : i32
      %dma_start3A_85 = arith.constant 0 : i32
      %dma_start3A_86 = tpu.memref_slice %arg2[%dma_start3A_84, %dma_start3A_85] : memref<25088x8xf32, #tpu.memory_space<hbm>> -> memref<25088x8xf32, #tpu.memory_space<hbm>>
      tpu.enqueue_indirect_dma source(%dma_start3A_86 : memref<25088x8xf32, #tpu.memory_space<hbm>>) target(%arg35 : memref<2560x8xf32, #tpu.memory_space<vmem>>) offsets(%arg25 : memref<2560xi32, #tpu.memory_space<vmem>>) semaphore(%arg50 : memref<!tpu.dma_semaphore, #tpu.memory_space<semaphore_mem>>)
      %dma_wait3A = arith.constant 0 : i32
      %dma_wait3A_87 = arith.constant 0 : i32
      %dma_wait3A_88 = tpu.memref_slice %arg2[%dma_wait3A, %dma_wait3A_87] : memref<25088x8xf32, #tpu.memory_space<hbm>> -> memref<25088x8xf32, #tpu.memory_space<hbm>>
      tpu.wait_indirect_dma semaphore(%arg50 : memref<!tpu.dma_semaphore, #tpu.memory_space<semaphore_mem>>) src(%dma_wait3A_88 : memref<25088x8xf32, #tpu.memory_space<hbm>>) dst(%arg34 : memref<2560x8xf32, #tpu.memory_space<vmem>>)
      %dma_wait3A_89 = arith.constant 0 : i32
      %dma_wait3A_90 = arith.constant 0 : i32
      %dma_wait3A_91 = tpu.memref_slice %arg2[%dma_wait3A_89, %dma_wait3A_90] : memref<25088x8xf32, #tpu.memory_space<hbm>> -> memref<25088x8xf32, #tpu.memory_space<hbm>>
      tpu.wait_indirect_dma semaphore(%arg50 : memref<!tpu.dma_semaphore, #tpu.memory_space<semaphore_mem>>) src(%dma_wait3A_91 : memref<25088x8xf32, #tpu.memory_space<hbm>>) dst(%arg35 : memref<2560x8xf32, #tpu.memory_space<vmem>>)
      %scan3A_92 = arith.constant 0 : i32
      %scan3A_93 = arith.constant 0 : i32
      %scan3A_94 = arith.constant 160 : i32
      %scan3A_95 = arith.addi %scan3A_93, %scan3A_94 : i32
      %scan3A_96 = arith.constant 1 : i32
      scf.for %scan3A_98 = %scan3A_93 to %scan3A_95 step %scan3A_96  : i32 {
        %mul3A_99 = arith.constant 16 : i32
        %mul3A_100 = arith.muli %scan3A_98, %mul3A_99 : i32
        %add3A_101 = vector.broadcast %mul3A_100 : i32 to vector<16xi32>
        %add3A_102 = arith.addi %add3A_101, %iota3A : vector<16xi32>
        %mul3A_103 = arith.constant 16 : i32
        %mul3A_104 = arith.muli %scan3A_98, %mul3A_103 : i32
        %get3A_105 = arith.index_cast %mul3A_104 : i32 to index
        %get3A_106 = tpu.vector_load %arg28[%get3A_105] {strides = array<i32>} : memref<2560xf32, #tpu.memory_space<vmem>>, vector<16xf32>,
        %get3A_107 = arith.index_cast %mul3A_104 : i32 to index
        %get3A_108 = tpu.vector_load %arg29[%get3A_107] {strides = array<i32>} : memref<2560xf32, #tpu.memory_space<vmem>>, vector<16xf32>,
        %get3A_109 = arith.index_cast %mul3A_104 : i32 to index
        %get3A_110 = tpu.vector_load %arg30[%get3A_109] {strides = array<i32>} : memref<2560xf32, #tpu.memory_space<vmem>>, vector<16xf32>,
        %get3A_111 = arith.index_cast %mul3A_104 : i32 to index
        %get3A_112 = tpu.vector_load %arg31[%get3A_111] {strides = array<i32>} : memref<2560xf32, #tpu.memory_space<vmem>>, vector<16xf32>,
        %get3A_113 = arith.index_cast %mul3A_104 : i32 to index
        %get3A_114 = tpu.vector_load %arg32[%get3A_113] {strides = array<i32>} : memref<2560xf32, #tpu.memory_space<vmem>>, vector<16xf32>,
        %get3A_115 = arith.index_cast %mul3A_104 : i32 to index
        %get3A_116 = tpu.vector_load %arg33[%get3A_115] {strides = array<i32>} : memref<2560xf32, #tpu.memory_space<vmem>>, vector<16xf32>,
        %get3A_117 = arith.index_cast %mul3A_104 : i32 to index
        %get3A_118 = tpu.vector_load %arg38[%get3A_117] {strides = array<i32>} : memref<2560xi32, #tpu.memory_space<vmem>>, vector<16xi32>,
        %get3A_119 = arith.index_cast %mul3A_104 : i32 to index
        %get3A_120 = tpu.vector_load %arg39[%get3A_119] {strides = array<i32>} : memref<2560xi32, #tpu.memory_space<vmem>>, vector<16xi32>,
        %gather3A = tpu.vector_load_idx %arg34[%add3A_102, %get3A_118] : memref<2560x8xf32, #tpu.memory_space<vmem>>[vector<16xi32>, vector<16xi32>], vector<16xf32>,
        %add3A_121 = arith.constant 1 : i32
        %add3A_122 = vector.broadcast %add3A_121 : i32 to vector<16xi32>
        %add3A_123 = arith.addi %get3A_118, %add3A_122 : vector<16xi32>
        %gather3A_124 = tpu.vector_load_idx %arg34[%add3A_102, %add3A_123] : memref<2560x8xf32, #tpu.memory_space<vmem>>[vector<16xi32>, vector<16xi32>], vector<16xf32>,
        %add3A_125 = arith.constant 2 : i32
        %add3A_126 = vector.broadcast %add3A_125 : i32 to vector<16xi32>
        %add3A_127 = arith.addi %get3A_118, %add3A_126 : vector<16xi32>
        %gather3A_128 = tpu.vector_load_idx %arg34[%add3A_102, %add3A_127] : memref<2560x8xf32, #tpu.memory_space<vmem>>[vector<16xi32>, vector<16xi32>], vector<16xf32>,
        %gather3A_129 = tpu.vector_load_idx %arg35[%add3A_102, %get3A_120] : memref<2560x8xf32, #tpu.memory_space<vmem>>[vector<16xi32>, vector<16xi32>], vector<16xf32>,
        %add3A_130 = arith.constant 1 : i32
        %add3A_131 = vector.broadcast %add3A_130 : i32 to vector<16xi32>
        %add3A_132 = arith.addi %get3A_120, %add3A_131 : vector<16xi32>
        %gather3A_133 = tpu.vector_load_idx %arg35[%add3A_102, %add3A_132] : memref<2560x8xf32, #tpu.memory_space<vmem>>[vector<16xi32>, vector<16xi32>], vector<16xf32>,
        %add3A_134 = arith.constant 2 : i32
        %add3A_135 = vector.broadcast %add3A_134 : i32 to vector<16xi32>
        %add3A_136 = arith.addi %get3A_120, %add3A_135 : vector<16xi32>
        %gather3A_137 = tpu.vector_load_idx %arg35[%add3A_102, %add3A_136] : memref<2560x8xf32, #tpu.memory_space<vmem>>[vector<16xi32>, vector<16xi32>], vector<16xf32>,
        %div3A_138 = arith.constant 1.000000e+00 : f32
        %div3A_139 = vector.broadcast %div3A_138 : f32 to vector<16xf32>
        %div3A_140 = arith.divf %div3A_139, %get3A_106 : vector<16xf32>
        %mul3A_141 = arith.mulf %get3A_108, %get3A_110 : vector<16xf32>
        %mul3A_142 = arith.mulf %mul3A_141, %div3A_140 : vector<16xf32>
        %mul3A_143 = arith.mulf %get3A_108, %get3A_112 : vector<16xf32>
        %mul3A_144 = arith.mulf %mul3A_143, %div3A_140 : vector<16xf32>
        %mul3A_145 = arith.mulf %mul3A_144, %div3A_140 : vector<16xf32>
        %mul3A_146 = arith.mulf %mul3A_145, %div3A_140 : vector<16xf32>
        %sub3A_147 = arith.subf %gather3A, %gather3A_129 : vector<16xf32>
        %mul3A_148 = arith.mulf %sub3A_147, %get3A_1 : vector<16xf32>
        %sub3A_149 = arith.subf %gather3A_124, %gather3A_133 : vector<16xf32>
        %mul3A_150 = arith.mulf %sub3A_149, %get3A_1 : vector<16xf32>
        %mul3A_151 = arith.mulf %get3A_114, %mul3A_148 : vector<16xf32>
        %mul3A_152 = arith.mulf %get3A_116, %mul3A_150 : vector<16xf32>
        %add3A_153 = arith.addf %mul3A_151, %mul3A_152 : vector<16xf32>
        %mul3A_154 = arith.mulf %get3A_114, %mul3A_150 : vector<16xf32>
        %mul3A_155 = arith.mulf %get3A_116, %mul3A_148 : vector<16xf32>
        %sub3A_156 = arith.subf %mul3A_154, %mul3A_155 : vector<16xf32>
        %mul3A_157 = arith.mulf %get3A_3, %gather3A_128 : vector<16xf32>
        %neg3A = arith.constant 0.000000e+00 : f32
        %neg3A_158 = vector.broadcast %neg3A : f32 to vector<16xf32>
        %neg3A_159 = arith.subf %neg3A_158, %mul3A_157 : vector<16xf32>
        %mul3A_160 = arith.mulf %get3A_3, %gather3A_137 : vector<16xf32>
        %neg3A_161 = arith.constant 0.000000e+00 : f32
        %neg3A_162 = vector.broadcast %neg3A_161 : f32 to vector<16xf32>
        %neg3A_163 = arith.subf %neg3A_162, %mul3A_160 : vector<16xf32>
        %mul3A_164 = arith.mulf %mul3A_142, %add3A_153 : vector<16xf32>
        %mul3A_165 = arith.mulf %mul3A_145, %sub3A_156 : vector<16xf32>
        %mul3A_166 = arith.mulf %mul3A_146, %sub3A_156 : vector<16xf32>
        %mul3A_167 = arith.constant 1.200000e+01 : f32
        %mul3A_168 = vector.broadcast %mul3A_167 : f32 to vector<16xf32>
        %mul3A_169 = arith.mulf %mul3A_168, %mul3A_166 : vector<16xf32>
        %add3A_170 = arith.addf %neg3A_159, %neg3A_163 : vector<16xf32>
        %mul3A_171 = arith.mulf %mul3A_145, %add3A_170 : vector<16xf32>
        %mul3A_172 = arith.constant 6.000000e+00 : f32
        %mul3A_173 = vector.broadcast %mul3A_172 : f32 to vector<16xf32>
        %mul3A_174 = arith.mulf %mul3A_173, %mul3A_171 : vector<16xf32>
        %add3A_175 = arith.addf %mul3A_169, %mul3A_174 : vector<16xf32>
        %mul3A_176 = arith.constant 6.000000e+00 : f32
        %mul3A_177 = vector.broadcast %mul3A_176 : f32 to vector<16xf32>
        %mul3A_178 = arith.mulf %mul3A_177, %mul3A_165 : vector<16xf32>
        %mul3A_179 = arith.constant 4.000000e+00 : f32
        %mul3A_180 = vector.broadcast %mul3A_179 : f32 to vector<16xf32>
        %mul3A_181 = arith.mulf %mul3A_180, %neg3A_159 : vector<16xf32>
        %mul3A_182 = arith.constant 2.000000e+00 : f32
        %mul3A_183 = vector.broadcast %mul3A_182 : f32 to vector<16xf32>
        %mul3A_184 = arith.mulf %mul3A_183, %neg3A_163 : vector<16xf32>
        %add3A_185 = arith.addf %mul3A_181, %mul3A_184 : vector<16xf32>
        %mul3A_186 = arith.mulf %mul3A_144, %add3A_185 : vector<16xf32>
        %add3A_187 = arith.addf %mul3A_178, %mul3A_186 : vector<16xf32>
        %mul3A_188 = arith.constant 6.000000e+00 : f32
        %mul3A_189 = vector.broadcast %mul3A_188 : f32 to vector<16xf32>
        %mul3A_190 = arith.mulf %mul3A_189, %mul3A_165 : vector<16xf32>
        %mul3A_191 = arith.constant 2.000000e+00 : f32
        %mul3A_192 = vector.broadcast %mul3A_191 : f32 to vector<16xf32>
        %mul3A_193 = arith.mulf %mul3A_192, %neg3A_159 : vector<16xf32>
        %mul3A_194 = arith.constant 4.000000e+00 : f32
        %mul3A_195 = vector.broadcast %mul3A_194 : f32 to vector<16xf32>
        %mul3A_196 = arith.mulf %mul3A_195, %neg3A_163 : vector<16xf32>
        %add3A_197 = arith.addf %mul3A_193, %mul3A_196 : vector<16xf32>
        %mul3A_198 = arith.mulf %mul3A_144, %add3A_197 : vector<16xf32>
        %add3A_199 = arith.addf %mul3A_190, %mul3A_198 : vector<16xf32>
        %mul3A_200 = arith.mulf %get3A_114, %mul3A_164 : vector<16xf32>
        %mul3A_201 = arith.mulf %get3A_116, %add3A_175 : vector<16xf32>
        %sub3A_202 = arith.subf %mul3A_200, %mul3A_201 : vector<16xf32>
        %mul3A_203 = arith.mulf %get3A_116, %mul3A_164 : vector<16xf32>
        %mul3A_204 = arith.mulf %get3A_114, %add3A_175 : vector<16xf32>
        %add3A_205 = arith.addf %mul3A_203, %mul3A_204 : vector<16xf32>
        %mul3A_206 = arith.mulf %mul3A_164, %add3A_153 : vector<16xf32>
        %mul3A_207 = arith.mulf %add3A_175, %sub3A_156 : vector<16xf32>
        %add3A_208 = arith.addf %mul3A_206, %mul3A_207 : vector<16xf32>
        %mul3A_209 = arith.mulf %add3A_187, %neg3A_159 : vector<16xf32>
        %add3A_210 = arith.addf %add3A_208, %mul3A_209 : vector<16xf32>
        %mul3A_211 = arith.mulf %add3A_199, %neg3A_163 : vector<16xf32>
        %add3A_212 = arith.addf %add3A_210, %mul3A_211 : vector<16xf32>
        %get3A_213 = arith.constant 0 : index
        %get3A_214 = tpu.vector_load %arg44[%get3A_213] {strides = array<i32>} : memref<16xf32, #tpu.memory_space<vmem>>, vector<16xf32>,
        %mul3A_215 = arith.mulf %add3A_212, %select_n3A : vector<16xf32>
        %add3A_216 = arith.addf %get3A_214, %mul3A_215 : vector<16xf32>
        %swap3A_217 = arith.constant 0 : index
        %swap3A_218 = tpu.vector_load %arg44[%swap3A_217] {strides = array<i32>} : memref<16xf32, #tpu.memory_space<vmem>>, vector<16xf32>,
        tpu.vector_store %arg44[%swap3A_217], %add3A_216 {strides = array<i32>} : memref<16xf32, #tpu.memory_space<vmem>>, vector<16xf32>,
        %sub3A_219 = arith.constant 4 : i32
        %sub3A_220 = vector.broadcast %sub3A_219 : i32 to vector<16xi32>
        %sub3A_221 = arith.subi %sub3A_220, %get3A_118 : vector<16xi32>
        %sub3A_222 = arith.constant 4 : i32
        %sub3A_223 = vector.broadcast %sub3A_222 : i32 to vector<16xi32>
        %sub3A_224 = arith.subi %sub3A_223, %get3A_120 : vector<16xi32>
        tpu.vector_store_idx %arg36[%add3A_102, %get3A_118], %sub3A_202 : memref<2560x8xf32, #tpu.memory_space<vmem>>[vector<16xi32>, vector<16xi32>], vector<16xf32>,
        %add3A_225 = arith.constant 1 : i32
        %add3A_226 = vector.broadcast %add3A_225 : i32 to vector<16xi32>
        %add3A_227 = arith.addi %get3A_118, %add3A_226 : vector<16xi32>
        tpu.vector_store_idx %arg36[%add3A_102, %add3A_227], %add3A_205 : memref<2560x8xf32, #tpu.memory_space<vmem>>[vector<16xi32>, vector<16xi32>], vector<16xf32>,
        %add3A_228 = arith.constant 2 : i32
        %add3A_229 = vector.broadcast %add3A_228 : i32 to vector<16xi32>
        %add3A_230 = arith.addi %get3A_118, %add3A_229 : vector<16xi32>
        %neg3A_231 = arith.constant 0.000000e+00 : f32
        %neg3A_232 = vector.broadcast %neg3A_231 : f32 to vector<16xf32>
        %neg3A_233 = arith.subf %neg3A_232, %add3A_187 : vector<16xf32>
        tpu.vector_store_idx %arg36[%add3A_102, %add3A_230], %neg3A_233 : memref<2560x8xf32, #tpu.memory_space<vmem>>[vector<16xi32>, vector<16xi32>], vector<16xf32>,
        tpu.vector_store_idx %arg36[%add3A_102, %sub3A_221], %broadcast_in_dim3A_8 : memref<2560x8xf32, #tpu.memory_space<vmem>>[vector<16xi32>, vector<16xi32>], vector<16xf32>,
        %add3A_234 = arith.constant 1 : i32
        %add3A_235 = vector.broadcast %add3A_234 : i32 to vector<16xi32>
        %add3A_236 = arith.addi %sub3A_221, %add3A_235 : vector<16xi32>
        tpu.vector_store_idx %arg36[%add3A_102, %add3A_236], %broadcast_in_dim3A_8 : memref<2560x8xf32, #tpu.memory_space<vmem>>[vector<16xi32>, vector<16xi32>], vector<16xf32>,
        %add3A_237 = arith.constant 2 : i32
        %add3A_238 = vector.broadcast %add3A_237 : i32 to vector<16xi32>
        %add3A_239 = arith.addi %sub3A_221, %add3A_238 : vector<16xi32>
        tpu.vector_store_idx %arg36[%add3A_102, %add3A_239], %broadcast_in_dim3A_8 : memref<2560x8xf32, #tpu.memory_space<vmem>>[vector<16xi32>, vector<16xi32>], vector<16xf32>,
        %neg3A_240 = arith.constant 0.000000e+00 : f32
        %neg3A_241 = vector.broadcast %neg3A_240 : f32 to vector<16xf32>
        %neg3A_242 = arith.subf %neg3A_241, %sub3A_202 : vector<16xf32>
        tpu.vector_store_idx %arg37[%add3A_102, %get3A_120], %neg3A_242 : memref<2560x8xf32, #tpu.memory_space<vmem>>[vector<16xi32>, vector<16xi32>], vector<16xf32>,
        %add3A_243 = arith.constant 1 : i32
        %add3A_244 = vector.broadcast %add3A_243 : i32 to vector<16xi32>
        %add3A_245 = arith.addi %get3A_120, %add3A_244 : vector<16xi32>
        %neg3A_246 = arith.constant 0.000000e+00 : f32
        %neg3A_247 = vector.broadcast %neg3A_246 : f32 to vector<16xf32>
        %neg3A_248 = arith.subf %neg3A_247, %add3A_205 : vector<16xf32>
        tpu.vector_store_idx %arg37[%add3A_102, %add3A_245], %neg3A_248 : memref<2560x8xf32, #tpu.memory_space<vmem>>[vector<16xi32>, vector<16xi32>], vector<16xf32>,
        %add3A_249 = arith.constant 2 : i32
        %add3A_250 = vector.broadcast %add3A_249 : i32 to vector<16xi32>
        %add3A_251 = arith.addi %get3A_120, %add3A_250 : vector<16xi32>
        %neg3A_252 = arith.constant 0.000000e+00 : f32
        %neg3A_253 = vector.broadcast %neg3A_252 : f32 to vector<16xf32>
        %neg3A_254 = arith.subf %neg3A_253, %add3A_199 : vector<16xf32>
        tpu.vector_store_idx %arg37[%add3A_102, %add3A_251], %neg3A_254 : memref<2560x8xf32, #tpu.memory_space<vmem>>[vector<16xi32>, vector<16xi32>], vector<16xf32>,
        tpu.vector_store_idx %arg37[%add3A_102, %sub3A_224], %broadcast_in_dim3A_8 : memref<2560x8xf32, #tpu.memory_space<vmem>>[vector<16xi32>, vector<16xi32>], vector<16xf32>,
        %add3A_255 = arith.constant 1 : i32
        %add3A_256 = vector.broadcast %add3A_255 : i32 to vector<16xi32>
        %add3A_257 = arith.addi %sub3A_224, %add3A_256 : vector<16xi32>
        tpu.vector_store_idx %arg37[%add3A_102, %add3A_257], %broadcast_in_dim3A_8 : memref<2560x8xf32, #tpu.memory_space<vmem>>[vector<16xi32>, vector<16xi32>], vector<16xf32>,
        %add3A_258 = arith.constant 2 : i32
        %add3A_259 = vector.broadcast %add3A_258 : i32 to vector<16xi32>
        %add3A_260 = arith.addi %sub3A_224, %add3A_259 : vector<16xi32>
        tpu.vector_store_idx %arg37[%add3A_102, %add3A_260], %broadcast_in_dim3A_8 : memref<2560x8xf32, #tpu.memory_space<vmem>>[vector<16xi32>, vector<16xi32>], vector<16xf32>,
      }
      %scan3A_97 = arith.constant 160 : i32
      "tpu.region"() ({
        %run_scoped3A_98 = tpu.sem_alloc : memref<!tpu.dma_semaphore, #tpu.memory_space<semaphore_mem>>
        %dma_start3A_99 = arith.constant 0 : i32
        %dma_start3A_100 = arith.constant 0 : i32
        %dma_start3A_101 = tpu.memref_slice %arg49[%dma_start3A_99, %dma_start3A_100] : memref<25344x8xf32, #tpu.memory_space<vmem_shared>> -> memref<25344x8xf32, #tpu.memory_space<vmem_shared>>
        tpu.enqueue_indirect_dma source(%arg36 : memref<2560x8xf32, #tpu.memory_space<vmem>>) target(%dma_start3A_101 : memref<25344x8xf32, #tpu.memory_space<vmem_shared>>) offsets(%arg26 : memref<2560xi32, #tpu.memory_space<vmem>>) semaphore(%run_scoped3A_98 : memref<!tpu.dma_semaphore, #tpu.memory_space<semaphore_mem>>) {add = true}
        %dma_wait3A_102 = arith.constant 0 : i32
        %dma_wait3A_103 = arith.constant 0 : i32
        %dma_wait3A_104 = tpu.memref_slice %arg49[%dma_wait3A_102, %dma_wait3A_103] : memref<25344x8xf32, #tpu.memory_space<vmem_shared>> -> memref<25344x8xf32, #tpu.memory_space<vmem_shared>>
        tpu.wait_indirect_dma semaphore(%run_scoped3A_98 : memref<!tpu.dma_semaphore, #tpu.memory_space<semaphore_mem>>) src(%arg36 : memref<2560x8xf32, #tpu.memory_space<vmem>>) dst(%dma_wait3A_104 : memref<25344x8xf32, #tpu.memory_space<vmem_shared>>)
        tpu.yield
      }) : () -> ()
      "tpu.region"() ({
        %run_scoped3A_98 = tpu.sem_alloc : memref<!tpu.dma_semaphore, #tpu.memory_space<semaphore_mem>>
        %dma_start3A_99 = arith.constant 0 : i32
        %dma_start3A_100 = arith.constant 0 : i32
        %dma_start3A_101 = tpu.memref_slice %arg49[%dma_start3A_99, %dma_start3A_100] : memref<25344x8xf32, #tpu.memory_space<vmem_shared>> -> memref<25344x8xf32, #tpu.memory_space<vmem_shared>>
        tpu.enqueue_indirect_dma source(%arg37 : memref<2560x8xf32, #tpu.memory_space<vmem>>) target(%dma_start3A_101 : memref<25344x8xf32, #tpu.memory_space<vmem_shared>>) offsets(%arg27 : memref<2560xi32, #tpu.memory_space<vmem>>) semaphore(%run_scoped3A_98 : memref<!tpu.dma_semaphore, #tpu.memory_space<semaphore_mem>>) {add = true}
        %dma_wait3A_102 = arith.constant 0 : i32
        %dma_wait3A_103 = arith.constant 0 : i32
        %dma_wait3A_104 = tpu.memref_slice %arg49[%dma_wait3A_102, %dma_wait3A_103] : memref<25344x8xf32, #tpu.memory_space<vmem_shared>> -> memref<25344x8xf32, #tpu.memory_space<vmem_shared>>
        tpu.wait_indirect_dma semaphore(%run_scoped3A_98 : memref<!tpu.dma_semaphore, #tpu.memory_space<semaphore_mem>>) src(%arg37 : memref<2560x8xf32, #tpu.memory_space<vmem>>) dst(%dma_wait3A_104 : memref<25344x8xf32, #tpu.memory_space<vmem_shared>>)
        tpu.yield
      }) : () -> ()
    }
    %scan3A_40 = arith.constant 20 : i32
    %barrier3A_41 = arith.constant 0 : index
    tpu.barrier barrier_id(%barrier3A_41)
    %mul3A_42 = arith.constant 784 : i32
    %mul3A_43 = arith.muli %arg1, %mul3A_42 : i32
    %mul3A_44 = arith.constant 1568 : i32
    %mul3A_45 = arith.muli %arg1, %mul3A_44 : i32
    %add3A_46 = arith.addi %mul3A_32, %mul3A_45 : i32
    "tpu.region"() ({
      %run_scoped3A_75 = tpu.sem_alloc : memref<!tpu.dma_semaphore, #tpu.memory_space<semaphore_mem>>
      %dma_start3A = arith.constant 0 : i32
      %dma_start3A_76 = tpu.memref_slice %arg28[%dma_start3A] : memref<2560xf32, #tpu.memory_space<vmem>> -> memref<1568xf32, #tpu.memory_space<vmem>>
      %dma_start3A_77 = tpu.memref_slice %arg19[%add3A_46] : memref<50176xf32, #tpu.memory_space<hbm>> -> memref<1568xf32, #tpu.memory_space<hbm>>
      %dma_start3A_78 = arith.constant 0 : i32
      %dma_start3A_79 = tpu.memref_slice %arg28[%dma_start3A_78] : memref<2560xf32, #tpu.memory_space<vmem>> -> memref<1568xf32, #tpu.memory_space<vmem>>
      %dma_start3A_80 = tpu.memref_slice %arg19[%add3A_46] : memref<50176xf32, #tpu.memory_space<hbm>> -> memref<1568xf32, #tpu.memory_space<hbm>>
      tpu.enqueue_dma source(%dma_start3A_80 : memref<1568xf32, #tpu.memory_space<hbm>>) target(%dma_start3A_79 : memref<1568xf32, #tpu.memory_space<vmem>>) target_semaphore(%run_scoped3A_75 : memref<!tpu.dma_semaphore, #tpu.memory_space<semaphore_mem>>)
      %dma_wait3A = arith.constant 0 : i32
      %dma_wait3A_81 = tpu.memref_slice %arg28[%dma_wait3A] : memref<2560xf32, #tpu.memory_space<vmem>> -> memref<1568xf32, #tpu.memory_space<vmem>>
      %dma_wait3A_82 = tpu.memref_slice %arg19[%add3A_46] : memref<50176xf32, #tpu.memory_space<hbm>> -> memref<1568xf32, #tpu.memory_space<hbm>>
      %dma_wait3A_83 = arith.constant 0 : i32
      %dma_wait3A_84 = tpu.memref_slice %arg28[%dma_wait3A_83] : memref<2560xf32, #tpu.memory_space<vmem>> -> memref<1568xf32, #tpu.memory_space<vmem>>
      %dma_wait3A_85 = tpu.memref_slice %arg19[%add3A_46] : memref<50176xf32, #tpu.memory_space<hbm>> -> memref<1568xf32, #tpu.memory_space<hbm>>
      tpu.wait_dma2 semaphore(%run_scoped3A_75 : memref<!tpu.dma_semaphore, #tpu.memory_space<semaphore_mem>>) src(%dma_wait3A_85 : memref<1568xf32, #tpu.memory_space<hbm>>) dst(%dma_wait3A_84 : memref<1568xf32, #tpu.memory_space<vmem>>)
      tpu.yield
    }) : () -> ()
    "tpu.region"() ({
      %run_scoped3A_75 = tpu.sem_alloc : memref<!tpu.dma_semaphore, #tpu.memory_space<semaphore_mem>>
      %dma_start3A = arith.constant 0 : i32
      %dma_start3A_76 = tpu.memref_slice %arg29[%dma_start3A] : memref<2560xf32, #tpu.memory_space<vmem>> -> memref<1568xf32, #tpu.memory_space<vmem>>
      %dma_start3A_77 = tpu.memref_slice %arg20[%add3A_46] : memref<50176xf32, #tpu.memory_space<hbm>> -> memref<1568xf32, #tpu.memory_space<hbm>>
      %dma_start3A_78 = arith.constant 0 : i32
      %dma_start3A_79 = tpu.memref_slice %arg29[%dma_start3A_78] : memref<2560xf32, #tpu.memory_space<vmem>> -> memref<1568xf32, #tpu.memory_space<vmem>>
      %dma_start3A_80 = tpu.memref_slice %arg20[%add3A_46] : memref<50176xf32, #tpu.memory_space<hbm>> -> memref<1568xf32, #tpu.memory_space<hbm>>
      tpu.enqueue_dma source(%dma_start3A_80 : memref<1568xf32, #tpu.memory_space<hbm>>) target(%dma_start3A_79 : memref<1568xf32, #tpu.memory_space<vmem>>) target_semaphore(%run_scoped3A_75 : memref<!tpu.dma_semaphore, #tpu.memory_space<semaphore_mem>>)
      %dma_wait3A = arith.constant 0 : i32
      %dma_wait3A_81 = tpu.memref_slice %arg29[%dma_wait3A] : memref<2560xf32, #tpu.memory_space<vmem>> -> memref<1568xf32, #tpu.memory_space<vmem>>
      %dma_wait3A_82 = tpu.memref_slice %arg20[%add3A_46] : memref<50176xf32, #tpu.memory_space<hbm>> -> memref<1568xf32, #tpu.memory_space<hbm>>
      %dma_wait3A_83 = arith.constant 0 : i32
      %dma_wait3A_84 = tpu.memref_slice %arg29[%dma_wait3A_83] : memref<2560xf32, #tpu.memory_space<vmem>> -> memref<1568xf32, #tpu.memory_space<vmem>>
      %dma_wait3A_85 = tpu.memref_slice %arg20[%add3A_46] : memref<50176xf32, #tpu.memory_space<hbm>> -> memref<1568xf32, #tpu.memory_space<hbm>>
      tpu.wait_dma2 semaphore(%run_scoped3A_75 : memref<!tpu.dma_semaphore, #tpu.memory_space<semaphore_mem>>) src(%dma_wait3A_85 : memref<1568xf32, #tpu.memory_space<hbm>>) dst(%dma_wait3A_84 : memref<1568xf32, #tpu.memory_space<vmem>>)
      tpu.yield
    }) : () -> ()
    "tpu.region"() ({
      %run_scoped3A_75 = tpu.sem_alloc : memref<!tpu.dma_semaphore, #tpu.memory_space<semaphore_mem>>
      %dma_start3A = arith.constant 0 : i32
      %dma_start3A_76 = tpu.memref_slice %arg30[%dma_start3A] : memref<2560xf32, #tpu.memory_space<vmem>> -> memref<1568xf32, #tpu.memory_space<vmem>>
      %dma_start3A_77 = tpu.memref_slice %arg21[%add3A_46] : memref<50176xf32, #tpu.memory_space<hbm>> -> memref<1568xf32, #tpu.memory_space<hbm>>
      %dma_start3A_78 = arith.constant 0 : i32
      %dma_start3A_79 = tpu.memref_slice %arg30[%dma_start3A_78] : memref<2560xf32, #tpu.memory_space<vmem>> -> memref<1568xf32, #tpu.memory_space<vmem>>
      %dma_start3A_80 = tpu.memref_slice %arg21[%add3A_46] : memref<50176xf32, #tpu.memory_space<hbm>> -> memref<1568xf32, #tpu.memory_space<hbm>>
      tpu.enqueue_dma source(%dma_start3A_80 : memref<1568xf32, #tpu.memory_space<hbm>>) target(%dma_start3A_79 : memref<1568xf32, #tpu.memory_space<vmem>>) target_semaphore(%run_scoped3A_75 : memref<!tpu.dma_semaphore, #tpu.memory_space<semaphore_mem>>)
      %dma_wait3A = arith.constant 0 : i32
      %dma_wait3A_81 = tpu.memref_slice %arg30[%dma_wait3A] : memref<2560xf32, #tpu.memory_space<vmem>> -> memref<1568xf32, #tpu.memory_space<vmem>>
      %dma_wait3A_82 = tpu.memref_slice %arg21[%add3A_46] : memref<50176xf32, #tpu.memory_space<hbm>> -> memref<1568xf32, #tpu.memory_space<hbm>>
      %dma_wait3A_83 = arith.constant 0 : i32
      %dma_wait3A_84 = tpu.memref_slice %arg30[%dma_wait3A_83] : memref<2560xf32, #tpu.memory_space<vmem>> -> memref<1568xf32, #tpu.memory_space<vmem>>
      %dma_wait3A_85 = tpu.memref_slice %arg21[%add3A_46] : memref<50176xf32, #tpu.memory_space<hbm>> -> memref<1568xf32, #tpu.memory_space<hbm>>
      tpu.wait_dma2 semaphore(%run_scoped3A_75 : memref<!tpu.dma_semaphore, #tpu.memory_space<semaphore_mem>>) src(%dma_wait3A_85 : memref<1568xf32, #tpu.memory_space<hbm>>) dst(%dma_wait3A_84 : memref<1568xf32, #tpu.memory_space<vmem>>)
      tpu.yield
    }) : () -> ()
    "tpu.region"() ({
      %run_scoped3A_75 = tpu.sem_alloc : memref<!tpu.dma_semaphore, #tpu.memory_space<semaphore_mem>>
      %dma_start3A = arith.constant 0 : i32
      %dma_start3A_76 = tpu.memref_slice %arg31[%dma_start3A] : memref<2560xf32, #tpu.memory_space<vmem>> -> memref<1568xf32, #tpu.memory_space<vmem>>
      %dma_start3A_77 = tpu.memref_slice %arg22[%add3A_46] : memref<50176xf32, #tpu.memory_space<hbm>> -> memref<1568xf32, #tpu.memory_space<hbm>>
      %dma_start3A_78 = arith.constant 0 : i32
      %dma_start3A_79 = tpu.memref_slice %arg31[%dma_start3A_78] : memref<2560xf32, #tpu.memory_space<vmem>> -> memref<1568xf32, #tpu.memory_space<vmem>>
      %dma_start3A_80 = tpu.memref_slice %arg22[%add3A_46] : memref<50176xf32, #tpu.memory_space<hbm>> -> memref<1568xf32, #tpu.memory_space<hbm>>
      tpu.enqueue_dma source(%dma_start3A_80 : memref<1568xf32, #tpu.memory_space<hbm>>) target(%dma_start3A_79 : memref<1568xf32, #tpu.memory_space<vmem>>) target_semaphore(%run_scoped3A_75 : memref<!tpu.dma_semaphore, #tpu.memory_space<semaphore_mem>>)
      %dma_wait3A = arith.constant 0 : i32
      %dma_wait3A_81 = tpu.memref_slice %arg31[%dma_wait3A] : memref<2560xf32, #tpu.memory_space<vmem>> -> memref<1568xf32, #tpu.memory_space<vmem>>
      %dma_wait3A_82 = tpu.memref_slice %arg22[%add3A_46] : memref<50176xf32, #tpu.memory_space<hbm>> -> memref<1568xf32, #tpu.memory_space<hbm>>
      %dma_wait3A_83 = arith.constant 0 : i32
      %dma_wait3A_84 = tpu.memref_slice %arg31[%dma_wait3A_83] : memref<2560xf32, #tpu.memory_space<vmem>> -> memref<1568xf32, #tpu.memory_space<vmem>>
      %dma_wait3A_85 = tpu.memref_slice %arg22[%add3A_46] : memref<50176xf32, #tpu.memory_space<hbm>> -> memref<1568xf32, #tpu.memory_space<hbm>>
      tpu.wait_dma2 semaphore(%run_scoped3A_75 : memref<!tpu.dma_semaphore, #tpu.memory_space<semaphore_mem>>) src(%dma_wait3A_85 : memref<1568xf32, #tpu.memory_space<hbm>>) dst(%dma_wait3A_84 : memref<1568xf32, #tpu.memory_space<vmem>>)
      tpu.yield
    }) : () -> ()
    "tpu.region"() ({
      %run_scoped3A_75 = tpu.sem_alloc : memref<!tpu.dma_semaphore, #tpu.memory_space<semaphore_mem>>
      %dma_start3A = arith.constant 0 : i32
      %dma_start3A_76 = arith.constant 0 : i32
      %dma_start3A_77 = tpu.memref_slice %arg36[%dma_start3A, %dma_start3A_76] : memref<2560x8xf32, #tpu.memory_space<vmem>> -> memref<784x8xf32, #tpu.memory_space<vmem>>
      %dma_start3A_78 = arith.constant 0 : i32
      %dma_start3A_79 = tpu.memref_slice %arg49[%mul3A_43, %dma_start3A_78] : memref<25344x8xf32, #tpu.memory_space<vmem_shared>> -> memref<784x8xf32, #tpu.memory_space<vmem_shared>>
      %dma_start3A_80 = arith.constant 0 : i32
      %dma_start3A_81 = arith.constant 0 : i32
      %dma_start3A_82 = tpu.memref_slice %arg36[%dma_start3A_80, %dma_start3A_81] : memref<2560x8xf32, #tpu.memory_space<vmem>> -> memref<784x8xf32, #tpu.memory_space<vmem>>
      %dma_start3A_83 = arith.constant 0 : i32
      %dma_start3A_84 = tpu.memref_slice %arg49[%mul3A_43, %dma_start3A_83] : memref<25344x8xf32, #tpu.memory_space<vmem_shared>> -> memref<784x8xf32, #tpu.memory_space<vmem_shared>>
      tpu.enqueue_dma source(%dma_start3A_84 : memref<784x8xf32, #tpu.memory_space<vmem_shared>>) target(%dma_start3A_82 : memref<784x8xf32, #tpu.memory_space<vmem>>) target_semaphore(%run_scoped3A_75 : memref<!tpu.dma_semaphore, #tpu.memory_space<semaphore_mem>>)
      %dma_wait3A = arith.constant 0 : i32
      %dma_wait3A_85 = arith.constant 0 : i32
      %dma_wait3A_86 = tpu.memref_slice %arg36[%dma_wait3A, %dma_wait3A_85] : memref<2560x8xf32, #tpu.memory_space<vmem>> -> memref<784x8xf32, #tpu.memory_space<vmem>>
      %dma_wait3A_87 = arith.constant 0 : i32
      %dma_wait3A_88 = tpu.memref_slice %arg49[%mul3A_43, %dma_wait3A_87] : memref<25344x8xf32, #tpu.memory_space<vmem_shared>> -> memref<784x8xf32, #tpu.memory_space<vmem_shared>>
      %dma_wait3A_89 = arith.constant 0 : i32
      %dma_wait3A_90 = arith.constant 0 : i32
      %dma_wait3A_91 = tpu.memref_slice %arg36[%dma_wait3A_89, %dma_wait3A_90] : memref<2560x8xf32, #tpu.memory_space<vmem>> -> memref<784x8xf32, #tpu.memory_space<vmem>>
      %dma_wait3A_92 = arith.constant 0 : i32
      %dma_wait3A_93 = tpu.memref_slice %arg49[%mul3A_43, %dma_wait3A_92] : memref<25344x8xf32, #tpu.memory_space<vmem_shared>> -> memref<784x8xf32, #tpu.memory_space<vmem_shared>>
      tpu.wait_dma2 semaphore(%run_scoped3A_75 : memref<!tpu.dma_semaphore, #tpu.memory_space<semaphore_mem>>) src(%dma_wait3A_93 : memref<784x8xf32, #tpu.memory_space<vmem_shared>>) dst(%dma_wait3A_91 : memref<784x8xf32, #tpu.memory_space<vmem>>)
      tpu.yield
    }) : () -> ()
    %jit3A_47 = arith.constant 2 : i32
    %div3A = arith.divsi %add3A_46, %jit3A_47 : i32
    %sign3A = arith.constant 0 : i32
    %sign3A_48 = arith.cmpi sgt, %add3A_46, %sign3A : i32
    %sign3A_49 = arith.extui %sign3A_48 : i1 to i32
    %sign3A_50 = arith.constant 0 : i32
    %sign3A_51 = arith.cmpi slt, %add3A_46, %sign3A_50 : i32
    %sign3A_52 = arith.extui %sign3A_51 : i1 to i32
    %sign3A_53 = arith.subi %sign3A_49, %sign3A_52 : i32
    %sign3A_54 = arith.constant 0 : i32
    %sign3A_55 = arith.cmpi sgt, %jit3A_47, %sign3A_54 : i32
    %sign3A_56 = arith.extui %sign3A_55 : i1 to i32
    %sign3A_57 = arith.constant 0 : i32
    %sign3A_58 = arith.cmpi slt, %jit3A_47, %sign3A_57 : i32
    %sign3A_59 = arith.extui %sign3A_58 : i1 to i32
    %sign3A_60 = arith.subi %sign3A_56, %sign3A_59 : i32
    %ne3A = arith.cmpi ne, %sign3A_53, %sign3A_60 : i32
    %rem3A = arith.remsi %add3A_46, %jit3A_47 : i32
    %ne3A_61 = arith.constant 0 : i32
    %ne3A_62 = arith.cmpi ne, %rem3A, %ne3A_61 : i32
    %and3A = arith.andi %ne3A, %ne3A_62 : i1
    %sub3A = arith.constant 1 : i32
    %sub3A_63 = arith.subi %div3A, %sub3A : i32
    %select_n3A_64 = arith.select %and3A, %sub3A_63, %div3A : i32
    "tpu.region"() ({
      %run_scoped3A_75 = tpu.sem_alloc : memref<!tpu.dma_semaphore, #tpu.memory_space<semaphore_mem>>
      %dma_start3A = arith.constant 0 : i32
      %dma_start3A_76 = arith.constant 0 : i32
      %dma_start3A_77 = tpu.memref_slice %arg35[%dma_start3A, %dma_start3A_76] : memref<2560x8xf32, #tpu.memory_space<vmem>> -> memref<784x8xf32, #tpu.memory_space<vmem>>
      %dma_start3A_78 = arith.constant 0 : i32
      %dma_start3A_79 = tpu.memref_slice %arg2[%select_n3A_64, %dma_start3A_78] : memref<25088x8xf32, #tpu.memory_space<hbm>> -> memref<784x8xf32, #tpu.memory_space<hbm>>
      %dma_start3A_80 = arith.constant 0 : i32
      %dma_start3A_81 = arith.constant 0 : i32
      %dma_start3A_82 = tpu.memref_slice %arg35[%dma_start3A_80, %dma_start3A_81] : memref<2560x8xf32, #tpu.memory_space<vmem>> -> memref<784x8xf32, #tpu.memory_space<vmem>>
      %dma_start3A_83 = arith.constant 0 : i32
      %dma_start3A_84 = tpu.memref_slice %arg2[%select_n3A_64, %dma_start3A_83] : memref<25088x8xf32, #tpu.memory_space<hbm>> -> memref<784x8xf32, #tpu.memory_space<hbm>>
      tpu.enqueue_dma source(%dma_start3A_84 : memref<784x8xf32, #tpu.memory_space<hbm>>) target(%dma_start3A_82 : memref<784x8xf32, #tpu.memory_space<vmem>>) target_semaphore(%run_scoped3A_75 : memref<!tpu.dma_semaphore, #tpu.memory_space<semaphore_mem>>)
      %dma_wait3A = arith.constant 0 : i32
      %dma_wait3A_85 = arith.constant 0 : i32
      %dma_wait3A_86 = tpu.memref_slice %arg35[%dma_wait3A, %dma_wait3A_85] : memref<2560x8xf32, #tpu.memory_space<vmem>> -> memref<784x8xf32, #tpu.memory_space<vmem>>
      %dma_wait3A_87 = arith.constant 0 : i32
      %dma_wait3A_88 = tpu.memref_slice %arg2[%select_n3A_64, %dma_wait3A_87] : memref<25088x8xf32, #tpu.memory_space<hbm>> -> memref<784x8xf32, #tpu.memory_space<hbm>>
      %dma_wait3A_89 = arith.constant 0 : i32
      %dma_wait3A_90 = arith.constant 0 : i32
      %dma_wait3A_91 = tpu.memref_slice %arg35[%dma_wait3A_89, %dma_wait3A_90] : memref<2560x8xf32, #tpu.memory_space<vmem>> -> memref<784x8xf32, #tpu.memory_space<vmem>>
      %dma_wait3A_92 = arith.constant 0 : i32
      %dma_wait3A_93 = tpu.memref_slice %arg2[%select_n3A_64, %dma_wait3A_92] : memref<25088x8xf32, #tpu.memory_space<hbm>> -> memref<784x8xf32, #tpu.memory_space<hbm>>
      tpu.wait_dma2 semaphore(%run_scoped3A_75 : memref<!tpu.dma_semaphore, #tpu.memory_space<semaphore_mem>>) src(%dma_wait3A_93 : memref<784x8xf32, #tpu.memory_space<hbm>>) dst(%dma_wait3A_91 : memref<784x8xf32, #tpu.memory_space<vmem>>)
      tpu.yield
    }) : () -> ()
    %scan3A_65 = arith.constant 0 : i32
    %scan3A_66 = arith.constant 0 : i32
    %scan3A_67 = arith.constant 98 : i32
    %scan3A_68 = arith.addi %scan3A_66, %scan3A_67 : i32
    %scan3A_69 = arith.constant 1 : i32
    scf.for %scan3A_75 = %scan3A_66 to %scan3A_68 step %scan3A_69  : i32 {
      %mul3A_76 = arith.constant 16 : i32
      %mul3A_77 = arith.muli %scan3A_75, %mul3A_76 : i32
      %add3A_78 = vector.broadcast %mul3A_77 : i32 to vector<16xi32>
      %add3A_79 = arith.addi %add3A_78, %iota3A : vector<16xi32>
      %mul3A_80 = arith.constant 16 : i32
      %mul3A_81 = arith.muli %scan3A_75, %mul3A_80 : i32
      %get3A_82 = arith.index_cast %mul3A_81 : i32 to index
      %get3A_83 = tpu.vector_load %arg28[%get3A_82] {strides = array<i32>} : memref<2560xf32, #tpu.memory_space<vmem>>, vector<16xf32>,
      %get3A_84 = arith.index_cast %mul3A_81 : i32 to index
      %get3A_85 = tpu.vector_load %arg29[%get3A_84] {strides = array<i32>} : memref<2560xf32, #tpu.memory_space<vmem>>, vector<16xf32>,
      %get3A_86 = arith.index_cast %mul3A_81 : i32 to index
      %get3A_87 = tpu.vector_load %arg30[%get3A_86] {strides = array<i32>} : memref<2560xf32, #tpu.memory_space<vmem>>, vector<16xf32>,
      %get3A_88 = arith.index_cast %mul3A_81 : i32 to index
      %get3A_89 = tpu.vector_load %arg31[%get3A_88] {strides = array<i32>} : memref<2560xf32, #tpu.memory_space<vmem>>, vector<16xf32>,
      %mul3A_90 = arith.constant 8 : i32
      %mul3A_91 = arith.muli %scan3A_75, %mul3A_90 : i32
      %shift_right_logical3A = arith.constant 1 : i32
      %shift_right_logical3A_92 = vector.broadcast %shift_right_logical3A : i32 to vector<16xi32>
      %shift_right_logical3A_93 = arith.shrui %iota3A, %shift_right_logical3A_92 : vector<16xi32>
      %add3A_94 = vector.broadcast %mul3A_91 : i32 to vector<16xi32>
      %add3A_95 = arith.addi %add3A_94, %shift_right_logical3A_93 : vector<16xi32>
      %and3A_96 = arith.constant 1 : i32
      %and3A_97 = vector.broadcast %and3A_96 : i32 to vector<16xi32>
      %and3A_98 = arith.andi %iota3A, %and3A_97 : vector<16xi32>
      %mul3A_99 = arith.constant 4 : i32
      %mul3A_100 = vector.broadcast %mul3A_99 : i32 to vector<16xi32>
      %mul3A_101 = arith.muli %and3A_98, %mul3A_100 : vector<16xi32>
      %gather3A = tpu.vector_load_idx %arg36[%add3A_95, %mul3A_101] : memref<2560x8xf32, #tpu.memory_space<vmem>>[vector<16xi32>, vector<16xi32>], vector<16xf32>,
      %add3A_102 = arith.constant 1 : i32
      %add3A_103 = vector.broadcast %add3A_102 : i32 to vector<16xi32>
      %add3A_104 = arith.addi %mul3A_101, %add3A_103 : vector<16xi32>
      %gather3A_105 = tpu.vector_load_idx %arg36[%add3A_95, %add3A_104] : memref<2560x8xf32, #tpu.memory_space<vmem>>[vector<16xi32>, vector<16xi32>], vector<16xf32>,
      %add3A_106 = arith.constant 2 : i32
      %add3A_107 = vector.broadcast %add3A_106 : i32 to vector<16xi32>
      %add3A_108 = arith.addi %mul3A_101, %add3A_107 : vector<16xi32>
      %gather3A_109 = tpu.vector_load_idx %arg36[%add3A_95, %add3A_108] : memref<2560x8xf32, #tpu.memory_space<vmem>>[vector<16xi32>, vector<16xi32>], vector<16xf32>,
      %gather3A_110 = tpu.vector_load_idx %arg35[%add3A_95, %mul3A_101] : memref<2560x8xf32, #tpu.memory_space<vmem>>[vector<16xi32>, vector<16xi32>], vector<16xf32>,
      %add3A_111 = arith.constant 1 : i32
      %add3A_112 = vector.broadcast %add3A_111 : i32 to vector<16xi32>
      %add3A_113 = arith.addi %mul3A_101, %add3A_112 : vector<16xi32>
      %gather3A_114 = tpu.vector_load_idx %arg35[%add3A_95, %add3A_113] : memref<2560x8xf32, #tpu.memory_space<vmem>>[vector<16xi32>, vector<16xi32>], vector<16xf32>,
      %add3A_115 = arith.constant 2 : i32
      %add3A_116 = vector.broadcast %add3A_115 : i32 to vector<16xi32>
      %add3A_117 = arith.addi %mul3A_101, %add3A_116 : vector<16xi32>
      %gather3A_118 = tpu.vector_load_idx %arg35[%add3A_95, %add3A_117] : memref<2560x8xf32, #tpu.memory_space<vmem>>[vector<16xi32>, vector<16xi32>], vector<16xf32>,
      %add3A_119 = arith.addf %gather3A, %get3A_83 : vector<16xf32>
      %mul3A_120 = arith.mulf %add3A_119, %get3A_5 : vector<16xf32>
      %add3A_121 = arith.addf %gather3A_105, %get3A_85 : vector<16xf32>
      %mul3A_122 = arith.mulf %add3A_121, %get3A_5 : vector<16xf32>
      %add3A_123 = arith.addf %gather3A_109, %get3A_87 : vector<16xf32>
      %mul3A_124 = arith.mulf %add3A_123, %get3A_7 : vector<16xf32>
      %mul3A_125 = arith.mulf %mul3A_120, %mul3A_120 : vector<16xf32>
      %mul3A_126 = arith.mulf %mul3A_122, %mul3A_122 : vector<16xf32>
      %add3A_127 = arith.addf %mul3A_125, %mul3A_126 : vector<16xf32>
      %mul3A_128 = arith.mulf %mul3A_124, %mul3A_124 : vector<16xf32>
      %add3A_129 = arith.addf %add3A_127, %mul3A_128 : vector<16xf32>
      %lt3A = arith.constant 5.000000e-01 : f32
      %lt3A_130 = vector.broadcast %lt3A : f32 to vector<16xf32>
      %lt3A_131 = arith.cmpf olt, %get3A_89, %lt3A_130 : vector<16xf32>
      %jit3A_132 = arith.constant 1.000000e+00 : f32
      %jit3A_133 = arith.constant 0.000000e+00 : f32
      %broadcast_in_dim3A_134 = vector.broadcast %jit3A_132 : f32 to vector<16xf32>
      %broadcast_in_dim3A_135 = vector.broadcast %jit3A_133 : f32 to vector<16xf32>
      %select_n3A_136 = arith.select %lt3A_131, %broadcast_in_dim3A_134, %broadcast_in_dim3A_135 : vector<16xi1>, vector<16xf32>
      %get3A_137 = arith.constant 0 : index
      %get3A_138 = tpu.vector_load %arg45[%get3A_137] {strides = array<i32>} : memref<16xf32, #tpu.memory_space<vmem>>, vector<16xf32>,
      %mul3A_139 = arith.mulf %add3A_129, %select_n3A_136 : vector<16xf32>
      %add3A_140 = arith.addf %get3A_138, %mul3A_139 : vector<16xf32>
      %swap3A_141 = arith.constant 0 : index
      %swap3A_142 = tpu.vector_load %arg45[%swap3A_141] {strides = array<i32>} : memref<16xf32, #tpu.memory_space<vmem>>, vector<16xf32>,
      tpu.vector_store %arg45[%swap3A_141], %add3A_140 {strides = array<i32>} : memref<16xf32, #tpu.memory_space<vmem>>, vector<16xf32>,
      %get3A_143 = arith.constant 0 : index
      %get3A_144 = tpu.vector_load %arg46[%get3A_143] {strides = array<i32>} : memref<16xf32, #tpu.memory_space<vmem>>, vector<16xf32>,
      %add3A_145 = arith.addf %get3A_144, %add3A_129 : vector<16xf32>
      %swap3A_146 = arith.constant 0 : index
      %swap3A_147 = tpu.vector_load %arg46[%swap3A_146] {strides = array<i32>} : memref<16xf32, #tpu.memory_space<vmem>>, vector<16xf32>,
      tpu.vector_store %arg46[%swap3A_146], %add3A_145 {strides = array<i32>} : memref<16xf32, #tpu.memory_space<vmem>>, vector<16xf32>,
      %get3A_148 = arith.constant 0 : index
      %get3A_149 = tpu.vector_load %arg47[%get3A_148] {strides = array<i32>} : memref<16xf32, #tpu.memory_space<vmem>>, vector<16xf32>,
      %add3A_150 = arith.addf %get3A_149, %select_n3A_136 : vector<16xf32>
      %swap3A_151 = arith.constant 0 : index
      %swap3A_152 = tpu.vector_load %arg47[%swap3A_151] {strides = array<i32>} : memref<16xf32, #tpu.memory_space<vmem>>, vector<16xf32>,
      tpu.vector_store %arg47[%swap3A_151], %add3A_150 {strides = array<i32>} : memref<16xf32, #tpu.memory_space<vmem>>, vector<16xf32>,
      %get3A_153 = arith.constant 0 : index
      %get3A_154 = tpu.vector_load %arg48[%get3A_153] {strides = array<i32>} : memref<16xf32, #tpu.memory_space<vmem>>, vector<16xf32>,
      %mul3A_155 = arith.mulf %get3A_83, %gather3A_110 : vector<16xf32>
      %mul3A_156 = arith.mulf %get3A_85, %gather3A_114 : vector<16xf32>
      %add3A_157 = arith.addf %mul3A_155, %mul3A_156 : vector<16xf32>
      %mul3A_158 = arith.mulf %get3A_1, %add3A_157 : vector<16xf32>
      %add3A_159 = arith.addf %get3A_154, %mul3A_158 : vector<16xf32>
      %mul3A_160 = arith.mulf %get3A_87, %gather3A_118 : vector<16xf32>
      %mul3A_161 = arith.mulf %get3A_3, %mul3A_160 : vector<16xf32>
      %add3A_162 = arith.addf %add3A_159, %mul3A_161 : vector<16xf32>
      %swap3A_163 = arith.constant 0 : index
      %swap3A_164 = tpu.vector_load %arg48[%swap3A_163] {strides = array<i32>} : memref<16xf32, #tpu.memory_space<vmem>>, vector<16xf32>,
      tpu.vector_store %arg48[%swap3A_163], %add3A_162 {strides = array<i32>} : memref<16xf32, #tpu.memory_space<vmem>>, vector<16xf32>,
    }
    %scan3A_70 = arith.constant 98 : i32
    %run_scoped3A = arith.constant 0 : i32
    "tpu.region"() ({
      %run_scoped3A_75 = tpu.sem_alloc : memref<!tpu.dma_semaphore, #tpu.memory_space<semaphore_mem>>
      %dma_start3A = arith.constant 0 : i32
      %dma_start3A_76 = tpu.memref_slice %arg23[%add3A, %run_scoped3A, %dma_start3A] : memref<32x5x16xf32, #tpu.memory_space<hbm>> -> memref<1x1x16xf32, #tpu.memory_space<hbm>>
      %dma_start3A_77 = tpu.memref_squeeze %dma_start3A_76 : memref<1x1x16xf32, #tpu.memory_space<hbm>> -> memref<16xf32, #tpu.memory_space<hbm>>
      %dma_start3A_78 = arith.constant 0 : i32
      %dma_start3A_79 = tpu.memref_slice %arg23[%add3A, %run_scoped3A, %dma_start3A_78] : memref<32x5x16xf32, #tpu.memory_space<hbm>> -> memref<1x1x16xf32, #tpu.memory_space<hbm>>
      %dma_start3A_80 = tpu.memref_squeeze %dma_start3A_79 : memref<1x1x16xf32, #tpu.memory_space<hbm>> -> memref<16xf32, #tpu.memory_space<hbm>>
      tpu.enqueue_dma source(%arg44 : memref<16xf32, #tpu.memory_space<vmem>>) target(%dma_start3A_80 : memref<16xf32, #tpu.memory_space<hbm>>) target_semaphore(%run_scoped3A_75 : memref<!tpu.dma_semaphore, #tpu.memory_space<semaphore_mem>>)
      %dma_wait3A = arith.constant 0 : i32
      %dma_wait3A_81 = tpu.memref_slice %arg23[%add3A, %run_scoped3A, %dma_wait3A] : memref<32x5x16xf32, #tpu.memory_space<hbm>> -> memref<1x1x16xf32, #tpu.memory_space<hbm>>
      %dma_wait3A_82 = tpu.memref_squeeze %dma_wait3A_81 : memref<1x1x16xf32, #tpu.memory_space<hbm>> -> memref<16xf32, #tpu.memory_space<hbm>>
      %dma_wait3A_83 = arith.constant 0 : i32
      %dma_wait3A_84 = tpu.memref_slice %arg23[%add3A, %run_scoped3A, %dma_wait3A_83] : memref<32x5x16xf32, #tpu.memory_space<hbm>> -> memref<1x1x16xf32, #tpu.memory_space<hbm>>
      %dma_wait3A_85 = tpu.memref_squeeze %dma_wait3A_84 : memref<1x1x16xf32, #tpu.memory_space<hbm>> -> memref<16xf32, #tpu.memory_space<hbm>>
      tpu.wait_dma2 semaphore(%run_scoped3A_75 : memref<!tpu.dma_semaphore, #tpu.memory_space<semaphore_mem>>) src(%arg44 : memref<16xf32, #tpu.memory_space<vmem>>) dst(%dma_wait3A_85 : memref<16xf32, #tpu.memory_space<hbm>>)
      tpu.yield
    }) : () -> ()
    %run_scoped3A_71 = arith.constant 1 : i32
    "tpu.region"() ({
      %run_scoped3A_75 = tpu.sem_alloc : memref<!tpu.dma_semaphore, #tpu.memory_space<semaphore_mem>>
      %dma_start3A = arith.constant 0 : i32
      %dma_start3A_76 = tpu.memref_slice %arg23[%add3A, %run_scoped3A_71, %dma_start3A] : memref<32x5x16xf32, #tpu.memory_space<hbm>> -> memref<1x1x16xf32, #tpu.memory_space<hbm>>
      %dma_start3A_77 = tpu.memref_squeeze %dma_start3A_76 : memref<1x1x16xf32, #tpu.memory_space<hbm>> -> memref<16xf32, #tpu.memory_space<hbm>>
      %dma_start3A_78 = arith.constant 0 : i32
      %dma_start3A_79 = tpu.memref_slice %arg23[%add3A, %run_scoped3A_71, %dma_start3A_78] : memref<32x5x16xf32, #tpu.memory_space<hbm>> -> memref<1x1x16xf32, #tpu.memory_space<hbm>>
      %dma_start3A_80 = tpu.memref_squeeze %dma_start3A_79 : memref<1x1x16xf32, #tpu.memory_space<hbm>> -> memref<16xf32, #tpu.memory_space<hbm>>
      tpu.enqueue_dma source(%arg45 : memref<16xf32, #tpu.memory_space<vmem>>) target(%dma_start3A_80 : memref<16xf32, #tpu.memory_space<hbm>>) target_semaphore(%run_scoped3A_75 : memref<!tpu.dma_semaphore, #tpu.memory_space<semaphore_mem>>)
      %dma_wait3A = arith.constant 0 : i32
      %dma_wait3A_81 = tpu.memref_slice %arg23[%add3A, %run_scoped3A_71, %dma_wait3A] : memref<32x5x16xf32, #tpu.memory_space<hbm>> -> memref<1x1x16xf32, #tpu.memory_space<hbm>>
      %dma_wait3A_82 = tpu.memref_squeeze %dma_wait3A_81 : memref<1x1x16xf32, #tpu.memory_space<hbm>> -> memref<16xf32, #tpu.memory_space<hbm>>
      %dma_wait3A_83 = arith.constant 0 : i32
      %dma_wait3A_84 = tpu.memref_slice %arg23[%add3A, %run_scoped3A_71, %dma_wait3A_83] : memref<32x5x16xf32, #tpu.memory_space<hbm>> -> memref<1x1x16xf32, #tpu.memory_space<hbm>>
      %dma_wait3A_85 = tpu.memref_squeeze %dma_wait3A_84 : memref<1x1x16xf32, #tpu.memory_space<hbm>> -> memref<16xf32, #tpu.memory_space<hbm>>
      tpu.wait_dma2 semaphore(%run_scoped3A_75 : memref<!tpu.dma_semaphore, #tpu.memory_space<semaphore_mem>>) src(%arg45 : memref<16xf32, #tpu.memory_space<vmem>>) dst(%dma_wait3A_85 : memref<16xf32, #tpu.memory_space<hbm>>)
      tpu.yield
    }) : () -> ()
    %run_scoped3A_72 = arith.constant 2 : i32
    "tpu.region"() ({
      %run_scoped3A_75 = tpu.sem_alloc : memref<!tpu.dma_semaphore, #tpu.memory_space<semaphore_mem>>
      %dma_start3A = arith.constant 0 : i32
      %dma_start3A_76 = tpu.memref_slice %arg23[%add3A, %run_scoped3A_72, %dma_start3A] : memref<32x5x16xf32, #tpu.memory_space<hbm>> -> memref<1x1x16xf32, #tpu.memory_space<hbm>>
      %dma_start3A_77 = tpu.memref_squeeze %dma_start3A_76 : memref<1x1x16xf32, #tpu.memory_space<hbm>> -> memref<16xf32, #tpu.memory_space<hbm>>
      %dma_start3A_78 = arith.constant 0 : i32
      %dma_start3A_79 = tpu.memref_slice %arg23[%add3A, %run_scoped3A_72, %dma_start3A_78] : memref<32x5x16xf32, #tpu.memory_space<hbm>> -> memref<1x1x16xf32, #tpu.memory_space<hbm>>
      %dma_start3A_80 = tpu.memref_squeeze %dma_start3A_79 : memref<1x1x16xf32, #tpu.memory_space<hbm>> -> memref<16xf32, #tpu.memory_space<hbm>>
      tpu.enqueue_dma source(%arg46 : memref<16xf32, #tpu.memory_space<vmem>>) target(%dma_start3A_80 : memref<16xf32, #tpu.memory_space<hbm>>) target_semaphore(%run_scoped3A_75 : memref<!tpu.dma_semaphore, #tpu.memory_space<semaphore_mem>>)
      %dma_wait3A = arith.constant 0 : i32
      %dma_wait3A_81 = tpu.memref_slice %arg23[%add3A, %run_scoped3A_72, %dma_wait3A] : memref<32x5x16xf32, #tpu.memory_space<hbm>> -> memref<1x1x16xf32, #tpu.memory_space<hbm>>
      %dma_wait3A_82 = tpu.memref_squeeze %dma_wait3A_81 : memref<1x1x16xf32, #tpu.memory_space<hbm>> -> memref<16xf32, #tpu.memory_space<hbm>>
      %dma_wait3A_83 = arith.constant 0 : i32
      %dma_wait3A_84 = tpu.memref_slice %arg23[%add3A, %run_scoped3A_72, %dma_wait3A_83] : memref<32x5x16xf32, #tpu.memory_space<hbm>> -> memref<1x1x16xf32, #tpu.memory_space<hbm>>
      %dma_wait3A_85 = tpu.memref_squeeze %dma_wait3A_84 : memref<1x1x16xf32, #tpu.memory_space<hbm>> -> memref<16xf32, #tpu.memory_space<hbm>>
      tpu.wait_dma2 semaphore(%run_scoped3A_75 : memref<!tpu.dma_semaphore, #tpu.memory_space<semaphore_mem>>) src(%arg46 : memref<16xf32, #tpu.memory_space<vmem>>) dst(%dma_wait3A_85 : memref<16xf32, #tpu.memory_space<hbm>>)
      tpu.yield
    }) : () -> ()
    %run_scoped3A_73 = arith.constant 3 : i32
    "tpu.region"() ({
      %run_scoped3A_75 = tpu.sem_alloc : memref<!tpu.dma_semaphore, #tpu.memory_space<semaphore_mem>>
      %dma_start3A = arith.constant 0 : i32
      %dma_start3A_76 = tpu.memref_slice %arg23[%add3A, %run_scoped3A_73, %dma_start3A] : memref<32x5x16xf32, #tpu.memory_space<hbm>> -> memref<1x1x16xf32, #tpu.memory_space<hbm>>
      %dma_start3A_77 = tpu.memref_squeeze %dma_start3A_76 : memref<1x1x16xf32, #tpu.memory_space<hbm>> -> memref<16xf32, #tpu.memory_space<hbm>>
      %dma_start3A_78 = arith.constant 0 : i32
      %dma_start3A_79 = tpu.memref_slice %arg23[%add3A, %run_scoped3A_73, %dma_start3A_78] : memref<32x5x16xf32, #tpu.memory_space<hbm>> -> memref<1x1x16xf32, #tpu.memory_space<hbm>>
      %dma_start3A_80 = tpu.memref_squeeze %dma_start3A_79 : memref<1x1x16xf32, #tpu.memory_space<hbm>> -> memref<16xf32, #tpu.memory_space<hbm>>
      tpu.enqueue_dma source(%arg47 : memref<16xf32, #tpu.memory_space<vmem>>) target(%dma_start3A_80 : memref<16xf32, #tpu.memory_space<hbm>>) target_semaphore(%run_scoped3A_75 : memref<!tpu.dma_semaphore, #tpu.memory_space<semaphore_mem>>)
      %dma_wait3A = arith.constant 0 : i32
      %dma_wait3A_81 = tpu.memref_slice %arg23[%add3A, %run_scoped3A_73, %dma_wait3A] : memref<32x5x16xf32, #tpu.memory_space<hbm>> -> memref<1x1x16xf32, #tpu.memory_space<hbm>>
      %dma_wait3A_82 = tpu.memref_squeeze %dma_wait3A_81 : memref<1x1x16xf32, #tpu.memory_space<hbm>> -> memref<16xf32, #tpu.memory_space<hbm>>
      %dma_wait3A_83 = arith.constant 0 : i32
      %dma_wait3A_84 = tpu.memref_slice %arg23[%add3A, %run_scoped3A_73, %dma_wait3A_83] : memref<32x5x16xf32, #tpu.memory_space<hbm>> -> memref<1x1x16xf32, #tpu.memory_space<hbm>>
      %dma_wait3A_85 = tpu.memref_squeeze %dma_wait3A_84 : memref<1x1x16xf32, #tpu.memory_space<hbm>> -> memref<16xf32, #tpu.memory_space<hbm>>
      tpu.wait_dma2 semaphore(%run_scoped3A_75 : memref<!tpu.dma_semaphore, #tpu.memory_space<semaphore_mem>>) src(%arg47 : memref<16xf32, #tpu.memory_space<vmem>>) dst(%dma_wait3A_85 : memref<16xf32, #tpu.memory_space<hbm>>)
      tpu.yield
    }) : () -> ()
    %run_scoped3A_74 = arith.constant 4 : i32
    "tpu.region"() ({
      %run_scoped3A_75 = tpu.sem_alloc : memref<!tpu.dma_semaphore, #tpu.memory_space<semaphore_mem>>
      %dma_start3A = arith.constant 0 : i32
      %dma_start3A_76 = tpu.memref_slice %arg23[%add3A, %run_scoped3A_74, %dma_start3A] : memref<32x5x16xf32, #tpu.memory_space<hbm>> -> memref<1x1x16xf32, #tpu.memory_space<hbm>>
      %dma_start3A_77 = tpu.memref_squeeze %dma_start3A_76 : memref<1x1x16xf32, #tpu.memory_space<hbm>> -> memref<16xf32, #tpu.memory_space<hbm>>
      %dma_start3A_78 = arith.constant 0 : i32
      %dma_start3A_79 = tpu.memref_slice %arg23[%add3A, %run_scoped3A_74, %dma_start3A_78] : memref<32x5x16xf32, #tpu.memory_space<hbm>> -> memref<1x1x16xf32, #tpu.memory_space<hbm>>
      %dma_start3A_80 = tpu.memref_squeeze %dma_start3A_79 : memref<1x1x16xf32, #tpu.memory_space<hbm>> -> memref<16xf32, #tpu.memory_space<hbm>>
      tpu.enqueue_dma source(%arg48 : memref<16xf32, #tpu.memory_space<vmem>>) target(%dma_start3A_80 : memref<16xf32, #tpu.memory_space<hbm>>) target_semaphore(%run_scoped3A_75 : memref<!tpu.dma_semaphore, #tpu.memory_space<semaphore_mem>>)
      %dma_wait3A = arith.constant 0 : i32
      %dma_wait3A_81 = tpu.memref_slice %arg23[%add3A, %run_scoped3A_74, %dma_wait3A] : memref<32x5x16xf32, #tpu.memory_space<hbm>> -> memref<1x1x16xf32, #tpu.memory_space<hbm>>
      %dma_wait3A_82 = tpu.memref_squeeze %dma_wait3A_81 : memref<1x1x16xf32, #tpu.memory_space<hbm>> -> memref<16xf32, #tpu.memory_space<hbm>>
      %dma_wait3A_83 = arith.constant 0 : i32
      %dma_wait3A_84 = tpu.memref_slice %arg23[%add3A, %run_scoped3A_74, %dma_wait3A_83] : memref<32x5x16xf32, #tpu.memory_space<hbm>> -> memref<1x1x16xf32, #tpu.memory_space<hbm>>
      %dma_wait3A_85 = tpu.memref_squeeze %dma_wait3A_84 : memref<1x1x16xf32, #tpu.memory_space<hbm>> -> memref<16xf32, #tpu.memory_space<hbm>>
      tpu.wait_dma2 semaphore(%run_scoped3A_75 : memref<!tpu.dma_semaphore, #tpu.memory_space<semaphore_mem>>) src(%arg48 : memref<16xf32, #tpu.memory_space<vmem>>) dst(%dma_wait3A_85 : memref<16xf32, #tpu.memory_space<hbm>>)
      tpu.yield
    }) : () -> ()
    return
  }
}

module attributes {stable_mosaic.version = 14 : i64} {
  func.func @body(%arg0: memref<1xf32, #tpu.memory_space<smem>>, %arg1: memref<1xf32, #tpu.memory_space<smem>>, %arg2: memref<3x50000xf32, #tpu.memory_space<vmem>>, %arg3: memref<32x5x16xf32, #tpu.memory_space<vmem>>, %arg4: memref<1x1xf32, #tpu.memory_space<vmem>>, %arg5: memref<3x50000xf32, #tpu.memory_space<vmem>>, %arg6: memref<1x1xf32, #tpu.memory_space<vmem>>, %arg7: memref<1x1xf32, #tpu.memory_space<vmem>>) attributes {dimension_semantics = [], scalar_prefetch = 0 : i64, scratch_operands = 0 : i64, tpu.core_type = #tpu.core_type<tc>} {
    %get3A = arith.constant 0 : index
    %get3A_0 = memref.load %arg0[%get3A] : memref<1xf32, #tpu.memory_space<smem>>
    %get3A_1 = arith.constant 0 : index
    %get3A_2 = memref.load %arg1[%get3A_1] : memref<1xf32, #tpu.memory_space<smem>>
    %get3A_3 = arith.constant 0 : index
    %get3A_4 = arith.constant 0 : index
    %get3A_5 = vector.load %arg2[%get3A_3, %get3A_4] : memref<3x50000xf32, #tpu.memory_space<vmem>>, vector<3x50000xf32>
    %iota3A = tpu.iota {dimensions = array<i32: 0>} : vector<3x50000xi32>
    %eq3A = arith.constant 2 : i32
    %eq3A_6 = vector.broadcast %eq3A : i32 to vector<3x50000xi32>
    %eq3A_7 = arith.cmpi eq, %iota3A, %eq3A_6 : vector<3x50000xi32>
    %broadcast_in_dim3A = vector.broadcast %get3A_2 : f32 to vector<3x50000xf32>
    %broadcast_in_dim3A_8 = vector.broadcast %get3A_0 : f32 to vector<3x50000xf32>
    %select_n3A = arith.select %eq3A_7, %broadcast_in_dim3A, %broadcast_in_dim3A_8 : vector<3x50000xi1>, vector<3x50000xf32>
    %mul3A = arith.mulf %get3A_5, %select_n3A : vector<3x50000xf32>
    %swap3A = arith.constant 0 : index
    %swap3A_9 = arith.constant 0 : index
    %swap3A_10 = vector.load %arg5[%swap3A, %swap3A_9] : memref<3x50000xf32, #tpu.memory_space<vmem>>, vector<3x50000xf32>
    tpu.vector_store %arg5[%swap3A, %swap3A_9], %mul3A {strides = array<i32>} : memref<3x50000xf32, #tpu.memory_space<vmem>>, vector<3x50000xf32>,
    %get3A_11 = arith.constant 0 : index
    %get3A_12 = arith.constant 0 : index
    %get3A_13 = arith.constant 0 : index
    %get3A_14 = vector.load %arg3[%get3A_11, %get3A_12, %get3A_13] : memref<32x5x16xf32, #tpu.memory_space<vmem>>, vector<32x5x16xf32>
    %slice3A = vector.extract_strided_slice %get3A_14 {offsets = [0, 0, 0], sizes = [32, 1, 16], strides = [1, 1, 1]} : vector<32x5x16xf32> to vector<32x1x16xf32>
    %squeeze3A = vector.shape_cast %slice3A : vector<32x1x16xf32> to vector<32x16xf32>
    %reduce_sum3A = vector.shape_cast %squeeze3A : vector<32x16xf32> to vector<1x32x16xf32>
    %reduce_sum3A_15 = arith.constant dense<0.000000e+00> : vector<1xf32>
    %reduce_sum3A_16 = vector.multi_reduction <add>, %reduce_sum3A, %reduce_sum3A_15 [1, 2] : vector<1x32x16xf32> to vector<1xf32>
    %reduce_sum3A_17 = vector.shape_cast %reduce_sum3A_16 : vector<1xf32> to vector<1x1x1xf32>
    %reduce_sum3A_18 = vector.extract %reduce_sum3A_17[0, 0, 0] : f32 from vector<1x1x1xf32>
    %slice3A_19 = vector.extract_strided_slice %get3A_14 {offsets = [0, 1, 0], sizes = [32, 1, 16], strides = [1, 1, 1]} : vector<32x5x16xf32> to vector<32x1x16xf32>
    %squeeze3A_20 = vector.shape_cast %slice3A_19 : vector<32x1x16xf32> to vector<32x16xf32>
    %reduce_sum3A_21 = vector.shape_cast %squeeze3A_20 : vector<32x16xf32> to vector<1x32x16xf32>
    %reduce_sum3A_22 = arith.constant dense<0.000000e+00> : vector<1xf32>
    %reduce_sum3A_23 = vector.multi_reduction <add>, %reduce_sum3A_21, %reduce_sum3A_22 [1, 2] : vector<1x32x16xf32> to vector<1xf32>
    %reduce_sum3A_24 = vector.shape_cast %reduce_sum3A_23 : vector<1xf32> to vector<1x1x1xf32>
    %reduce_sum3A_25 = vector.extract %reduce_sum3A_24[0, 0, 0] : f32 from vector<1x1x1xf32>
    %slice3A_26 = vector.extract_strided_slice %get3A_14 {offsets = [0, 2, 0], sizes = [32, 1, 16], strides = [1, 1, 1]} : vector<32x5x16xf32> to vector<32x1x16xf32>
    %squeeze3A_27 = vector.shape_cast %slice3A_26 : vector<32x1x16xf32> to vector<32x16xf32>
    %reduce_sum3A_28 = vector.shape_cast %squeeze3A_27 : vector<32x16xf32> to vector<1x32x16xf32>
    %reduce_sum3A_29 = arith.constant dense<0.000000e+00> : vector<1xf32>
    %reduce_sum3A_30 = vector.multi_reduction <add>, %reduce_sum3A_28, %reduce_sum3A_29 [1, 2] : vector<1x32x16xf32> to vector<1xf32>
    %reduce_sum3A_31 = vector.shape_cast %reduce_sum3A_30 : vector<1xf32> to vector<1x1x1xf32>
    %reduce_sum3A_32 = vector.extract %reduce_sum3A_31[0, 0, 0] : f32 from vector<1x1x1xf32>
    %slice3A_33 = vector.extract_strided_slice %get3A_14 {offsets = [0, 3, 0], sizes = [32, 1, 16], strides = [1, 1, 1]} : vector<32x5x16xf32> to vector<32x1x16xf32>
    %squeeze3A_34 = vector.shape_cast %slice3A_33 : vector<32x1x16xf32> to vector<32x16xf32>
    %reduce_sum3A_35 = vector.shape_cast %squeeze3A_34 : vector<32x16xf32> to vector<1x32x16xf32>
    %reduce_sum3A_36 = arith.constant dense<0.000000e+00> : vector<1xf32>
    %reduce_sum3A_37 = vector.multi_reduction <add>, %reduce_sum3A_35, %reduce_sum3A_36 [1, 2] : vector<1x32x16xf32> to vector<1xf32>
    %reduce_sum3A_38 = vector.shape_cast %reduce_sum3A_37 : vector<1xf32> to vector<1x1x1xf32>
    %reduce_sum3A_39 = vector.extract %reduce_sum3A_38[0, 0, 0] : f32 from vector<1x1x1xf32>
    %slice3A_40 = vector.extract_strided_slice %get3A_14 {offsets = [0, 4, 0], sizes = [32, 1, 16], strides = [1, 1, 1]} : vector<32x5x16xf32> to vector<32x1x16xf32>
    %squeeze3A_41 = vector.shape_cast %slice3A_40 : vector<32x1x16xf32> to vector<32x16xf32>
    %reduce_sum3A_42 = vector.shape_cast %squeeze3A_41 : vector<32x16xf32> to vector<1x32x16xf32>
    %reduce_sum3A_43 = arith.constant dense<0.000000e+00> : vector<1xf32>
    %reduce_sum3A_44 = vector.multi_reduction <add>, %reduce_sum3A_42, %reduce_sum3A_43 [1, 2] : vector<1x32x16xf32> to vector<1xf32>
    %reduce_sum3A_45 = vector.shape_cast %reduce_sum3A_44 : vector<1xf32> to vector<1x1x1xf32>
    %reduce_sum3A_46 = vector.extract %reduce_sum3A_45[0, 0, 0] : f32 from vector<1x1x1xf32>
    %mul3A_47 = arith.constant 3.000000e+00 : f32
    %mul3A_48 = arith.mulf %reduce_sum3A_39, %mul3A_47 : f32
    %max3A = arith.constant 1.000000e+00 : f32
    %max3A_49 = arith.maximumf %mul3A_48, %max3A : f32
    %div3A = arith.divf %reduce_sum3A_25, %max3A_49 : f32
    %div3A_50 = arith.constant 1.500000e+05 : f32
    %div3A_51 = arith.divf %reduce_sum3A_32, %div3A_50 : f32
    %gt3A = arith.constant 0.000000e+00 : f32
    %gt3A_52 = arith.cmpf ogt, %mul3A_48, %gt3A : f32
    %select_n3A_53 = arith.select %gt3A_52, %div3A, %div3A_51 : f32
    %broadcast_in_dim3A_54 = vector.broadcast %select_n3A_53 : f32 to vector<1x1xf32>
    %swap3A_55 = arith.constant 0 : index
    %swap3A_56 = arith.constant 0 : index
    %swap3A_57 = vector.load %arg4[%swap3A_55, %swap3A_56] : memref<1x1xf32, #tpu.memory_space<vmem>>, vector<1x1xf32>
    tpu.vector_store %arg4[%swap3A_55, %swap3A_56], %broadcast_in_dim3A_54 {strides = array<i32>} : memref<1x1xf32, #tpu.memory_space<vmem>>, vector<1x1xf32>,
    %mul3A_58 = arith.constant 5.000000e-01 : f32
    %mul3A_59 = arith.mulf %mul3A_58, %reduce_sum3A_18 : f32
    %broadcast_in_dim3A_60 = vector.broadcast %mul3A_59 : f32 to vector<1x1xf32>
    %swap3A_61 = arith.constant 0 : index
    %swap3A_62 = arith.constant 0 : index
    %swap3A_63 = vector.load %arg6[%swap3A_61, %swap3A_62] : memref<1x1xf32, #tpu.memory_space<vmem>>, vector<1x1xf32>
    tpu.vector_store %arg6[%swap3A_61, %swap3A_62], %broadcast_in_dim3A_60 {strides = array<i32>} : memref<1x1xf32, #tpu.memory_space<vmem>>, vector<1x1xf32>,
    %broadcast_in_dim3A_64 = vector.broadcast %reduce_sum3A_46 : f32 to vector<1x1xf32>
    %swap3A_65 = arith.constant 0 : index
    %swap3A_66 = arith.constant 0 : index
    %swap3A_67 = vector.load %arg7[%swap3A_65, %swap3A_66] : memref<1x1xf32, #tpu.memory_space<vmem>>, vector<1x1xf32>
    tpu.vector_store %arg7[%swap3A_65, %swap3A_66], %broadcast_in_dim3A_64 {strides = array<i32>} : memref<1x1xf32, #tpu.memory_space<vmem>>, vector<1x1xf32>,
    return
  }
}

</mosaic_0001>

<sc_bundles>
// kernel: kernel.4.cloned.1.call-start
scs
__scs_entry_jumppad:
0x0: {  	(pc) =	sbr.rel $0x88, $3  }
0x1: {  	(tag) =	ssettag $0x0;
	lr =	simm.s32 $0x1  }
0x2: {  	[smem:$0x3F94] =	sst lr;
	_ =	strace $0xD0000000  }
0x3: {  	_ = 	snop  }
0x4: {  	_ = 	snop  }
0x5: {  	_ = 	snop  }
0x6: {  	_ = 	snop  }
0x7: {  	_ = 	snop  }
__scs_overlays_trampoline_lowered:
0x8: {  	[smem:$0x3FA3] =	sst s0  }
0x9: {  	[smem:$0x3FA4] =	sst s1  }
0xa: {  	[smem:$0x3FA5] =	sst s2  }
0xb: {  	[smem:$0x3FA6] =	sst s3  }
0xc: {  	[smem:$0x3FA7] =	sst s4  }
0xd: {  	[smem:$0x3FA8] =	sst s5  }
0xe: {  	[smem:$0x3FA9] =	sst s6  }
0xf: {  	[smem:$0x3FAA] =	sst s7  }
0x10: {  	[smem:$0x3FAB] =	sst s8  }
0x11: {  	[smem:$0x3FAC] =	sst s9;
	s0 =	simm.s32 @!p0 $0x0  }
0x12: {  	s1 =	sld [smem:$0x3F92];
	s0 =	simm.s32 @p0 $0x1  }
0x13: {  	[smem:$0x3FAD] =	sst s0;
	s0 =	simm.s32 @!p1 $0x0  }
0x14: {  	s2 =	sld [smem:$0x3F91];
	s0 =	simm.s32 @p1 $0x1  }
0x15: {  	[smem:$0x3FAE] =	sst s0;
	s0 =	simm.s32 @!p2 $0x0  }
0x16: {  	s3 =	sld [smem:$0x3FDB];
	s0 =	simm.s32 @p2 $0x1  }
0x17: {  	s4 =	simm.s32 $0x1BF5;
	[smem:$0x3FB0] =	sst s0  }
0x18: {  	s0 =	sld [smem:$0x3F93];
	_ =	swait.ge [sflag:s4], $0x0  }
0x19: {  	s7 =	sld [smem:$0x3F94]  }
0x1a: {  	s8 =	sadd.s32 $0xFFFFE003, lr  }
0x1b: {  	s9 =	sadd.s32 $0xFFFFFEF7, lr;
	s5 =	simm.s32 $0xFFFFFFFF;
	p2 =	slt.u32 s8, $0xFFFFF086  }
0x1c: {  	p1 =	slt.u32 s9, $0xF7A;
	s5 =	simm.s32 @!p2 $0x0  }
0x1d: {  	s5 =	simm.s32 @p1 $0x1;
	p0 =	seq.s32 s7, s2  }
0x1e: {  	s7 =	smul.u32 @!p0 $0xF7A, s2;
	p2 =	seq.s32 @!p0 s5, $0x0  }
0x1f: {  	s9 =	smul.u32 $0xF7A, s1;
	s8 =	simm.s32 @!p0 $0x1BF5;
	p2 =	por !p2, p0  }
0x20: {  	[sflag:s8] =	ssyncset.s32 @!p0 $0xFFFFF086;
	s6 =	sadd.s32 @!p0 s3, s7;
	s7 =	simm.s32 @!p0 $0x108  }
0x21: {  	s3 =	sadd.s32 s3, s9;
	s6 =	sadd.s32 @!p0 $0x88, s6;
	s7 =	simm.s32 @p2 $0x1082  }
0x22: {  	[simem:s7], [sflag:s8] =	dma.local @!p0 [hbm:s6], $0xF7A  }
0x23: {  	s9 =	sor.u32 $0xD0000000, s2;
	s6 =	simm.s32 $0x108;
	_ =	swait.ge @!p0 [sflag:s8], $0x0  }
0x24: {  	s3 =	sadd.s32 $0x88, s3;
	s6 =	simm.s32 @!p1 $0x1082;
	[sflag:s4] =	ssyncset.s32 $0xFFFFF086  }
0x25: {  	[simem:s6], [sflag:s4] =	dma.local [hbm:s3], $0xF7A  }
0x26: {  	[smem:$0x3F94] =	sst s1;
	(tag) =	ssettag s2;
	_ =	strace s9  }
0x27: {  	s1 =	sld [smem:$0x3FA4]  }
0x28: {  	s2 =	sld [smem:$0x3FA5]  }
0x29: {  	s4 =	sld [smem:$0x3FA7]  }
0x2a: {  	p0 =	seq.s32 s5, $0x0;
	s5 =	sld [smem:$0x3FA8]  }
0x2b: {  	s6 =	sld [smem:$0x3FA9]  }
0x2c: {  	s7 =	sld [smem:$0x3FAA]  }
0x2d: {  	s3 =	simm.s32 $0x108;
	s8 =	sld [smem:$0x3FAB]  }
0x2e: {  	s3 =	simm.s32 @!p0 $0x1082;
	s9 =	sld [smem:$0x3FAC]  }
0x2f: {  	lr =	sadd.s32 s0, s3;
	s0 =	sld [smem:$0x3FA3]  }
0x30: {  	s3 =	sld [smem:$0x3FA6]  }
0x31: {  	[smem:$0x3FAF] =	sst s10  }
0x32: {  	s10 =	sld [smem:$0x3FAD];
	_ =	sdelay $0x3  }
0x33: {  	p0 =	seq.s32 s10, $0x1;
	s10 =	sld [smem:$0x3FAF];
	_ =	sdelay $0x3  }
0x34: {  	[smem:$0x3FAF] =	sst s10  }
0x35: {  	s10 =	sld [smem:$0x3FAE];
	_ =	sdelay $0x3  }
0x36: {  	p1 =	seq.s32 s10, $0x1;
	s10 =	sld [smem:$0x3FAF];
	_ =	sdelay $0x3  }
0x37: {  	[smem:$0x3FAF] =	sst s10  }
0x38: {  	s10 =	sld [smem:$0x3FB0]  }
0x39: {  	_ = 	snop;
	(pc) =	sbr.ind lr, $3  }
0x3a: {  	_ = 	snop  }
0x3b: {  	_ = 	snop  }
0x3c: {  	p2 =	seq.s32 s10, $0x1;
	s10 =	sld [smem:$0x3FAF]  }
0x3d: {  	_ =	shalt  }
0x3e: {  	_ =	shalt  }
0x3f: {  	_ =	shalt  }
0x40: {  	_ =	shalt  }
0x41: {  	_ =	shalt  }
0x42: {  	_ =	shalt  }
0x43: {  	_ =	shalt  }
0x44: {  	_ =	shalt  }
0x45: {  	_ =	shalt  }
0x46: {  	_ =	shalt  }
0x47: {  	_ =	shalt  }
0x48: {  	_ =	shalt  }
0x49: {  	_ =	shalt  }
0x4a: {  	_ =	shalt  }
0x4b: {  	_ =	shalt  }
0x4c: {  	_ =	shalt  }
0x4d: {  	_ =	shalt  }
0x4e: {  	_ =	shalt  }
0x4f: {  	_ =	shalt  }
0x50: {  	_ =	shalt  }
0x51: {  	_ =	shalt  }
0x52: {  	_ =	shalt  }
0x53: {  	_ =	shalt  }
0x54: {  	_ =	shalt  }
0x55: {  	_ =	shalt  }
0x56: {  	_ =	shalt  }
0x57: {  	_ =	shalt  }
0x58: {  	_ =	shalt  }
0x59: {  	_ =	shalt  }
0x5a: {  	_ =	shalt  }
0x5b: {  	_ =	shalt  }
0x5c: {  	_ =	shalt  }
0x5d: {  	_ =	shalt  }
0x5e: {  	_ =	shalt  }
0x5f: {  	_ =	shalt  }
0x60: {  	_ =	shalt  }
0x61: {  	_ =	shalt  }
0x62: {  	_ =	shalt  }
0x63: {  	_ =	shalt  }
0x64: {  	_ =	shalt  }
0x65: {  	_ =	shalt  }
0x66: {  	_ =	shalt  }
0x67: {  	_ =	shalt  }
0x68: {  	_ =	shalt  }
0x69: {  	_ =	shalt  }
0x6a: {  	_ =	shalt  }
0x6b: {  	_ =	shalt  }
0x6c: {  	_ =	shalt  }
0x6d: {  	_ =	shalt  }
0x6e: {  	_ =	shalt  }
0x6f: {  	_ =	shalt  }
0x70: {  	_ =	shalt  }
0x71: {  	_ =	shalt  }
0x72: {  	_ =	shalt  }
0x73: {  	_ =	shalt  }
0x74: {  	_ =	shalt  }
0x75: {  	_ =	shalt  }
0x76: {  	_ =	shalt  }
0x77: {  	_ =	shalt  }
0x78: {  	_ =	shalt  }
0x79: {  	_ =	shalt  }
0x7a: {  	_ =	shalt  }
0x7b: {  	_ =	shalt  }
0x7c: {  	_ =	shalt  }
0x7d: {  	_ =	shalt  }
0x7e: {  	_ =	shalt  }
0x7f: {  	_ =	shalt  }
0x80: {  	_ =	shalt  }
0x81: {  	_ =	shalt  }
0x82: {  	_ =	shalt  }
0x83: {  	_ =	shalt  }
0x84: {  	_ =	shalt  }
0x85: {  	_ =	shalt  }
0x86: {  	_ =	shalt  }
0x87: {  	_ =	shalt  }
.Lfunc_end0:
.L_simem_size_0:
called_computation_lowered:
.L_overlay_start_0:
0x88: {  	s2 =	sld [smem:$0x3FD9]  }
0x89: {  	s3 =	sld [smem:$0x3FFE];
	_ =	sdelay $0x1  }
0x8a: {  	s1 =	srdreg.scid  }
0x8b: {  	s0 =	sand.u32 $0x1, s1  }
0x8c: {  	s14 =	sshll.u32 s0, $0xA;
	s2 =	sadd.s32 s3, s2  }
0x8d: {  	s2 =	sadd.s32 s2, s14  }
0x8e: {  	[smem:$0x3FBB] =	sst s2  }
0x8f: {  	_ = 	snop  }
0x90: {  	s2 =	sld [smem:$0x3FD0];
	_ =	sdelay $0x2  }
0x91: {  	s15 =	simm.s32 $0xA;
	s4 =	simm.s32 $0x10  }
0x92: {  	[smem:s4], [sflag:s15] =	dma.local [hbm:s2], $0x1  }
0x93: {  	_ =	swait.eq [sflag:s15], $0x1  }
0x94: {  	s16 =	sld [smem:$0x10]  }
0x95: {  	s17 =	sld [smem:$0x11]  }
0x96: {  	s5 =	sld [smem:$0x12];
	[sflag:s15] =	ssyncset.done $0x0  }
0x97: {  	s6 =	sld [smem:$0x13];
	[sflag:s15] =	ssyncadd.s32 $0xFFFFFFFF  }
0x98: {  	s18 =	sld [smem:$0x14];
	(tm) =	ssettm $0x1  }
0x99: {  	s7 =	sld [smem:$0x3FFB];
	_ =	sdelay $0x3  }
0x9a: {  	_ =	strace s7  }
0x9b: {  	s7 =	sld [smem:$0x3FFC];
	_ =	sdelay $0x3  }
0x9c: {  	_ =	strace s7  }
0x9d: {  	s7 =	sld [smem:$0x3FFD];
	_ =	sdelay $0x3  }
0x9e: {  	_ =	strace s7  }
0x9f: {  	_ =	strace $0x8FFFFFFF  }
0xa0: {  	s19 =	sld [smem:$0x3FDB];
	_ =	sdelay $0x1  }
0xa1: {  	s8 =	simm.s32 $_scs_section_size  }
0xa2: {  	s9 =	simm.s32 $_size__tile_overlayer_lowered;
	s10 =	simm.s32 $_tile_overlayer_lowered  }
0xa3: {  	s22 =	simm.s32 $0x1BFF;
	s21 =	sshll.u32 s10, $0x1;
	s7 =	sadd.s32 s8, s19  }
0xa4: {  	s11 =	simm.s32 $0x0;
	s20 =	sshll.u32 s9, $0x1;
	s9 =	sadd.s32 s21, s7  }
0xa5: {  	[timem:s11], [sflag:s22] =	dma.local [hbm:s9], s20  }
0xa6: {  	_ =	swait.ge [sflag:s22], s20  }
0xa7: {  	s8 =	ssub.s32 $0x0, s20;
	[sflag:s22] =	ssyncset.done $0x0  }
0xa8: {  	[sflag:s22] =	ssyncadd.s32 s8;
	_ =	sdelay $0x1  }
0xa9: {  	s23 =	simm.s32 $0x1B8B  }
0xaa: {  	_ =	swait.ge [sflag:s23], $0x1  }
0xab: {  	[sflag:s23] =	ssyncset.done $0x0  }
0xac: {  	s25 =	simm.s32 $0x1B8E;
	s24 =	sld [smem:$0x3FFE];
	[sflag:s23] =	ssyncadd.s32 $0xFFFFFFFF  }
0xad: {  	s26 =	simm.s32 $execute0_lowered;
	[smem:$0x3FD2] =	sst s25  }
0xae: {  	s9 =	sshll.u32 s26, $0x1;
	_ =	strace $0x80000046;
	[dreg:$0x1] =	wrdreg $0xFFFFFFFF  }
0xaf: {  	s28 =	simm.s32 $_size_execute0_lowered;
	s7 =	sadd.s32 s7, s9;
	[dreg:$0x0] =	wrdreg $0x0  }
0xb0: {  	s9 =	sshll.u32 s28, $0x1;
	[dreg:$0x2] =	wrdreg s7  }
0xb1: {  	[dreg:$0x3] =	wrdreg s9  }
0xb2: {  	[dreg:$0x4] =	wrdreg $0xC0  }
0xb3: {  	_ =	task [dreg:s11], $0x5FFFF  }
0xb4: {  	[dreg:$0x1] =	wrdreg $0xFFFFFFFF  }
0xb5: {  	[dreg:$0x0] =	wrdreg $0x60  }
0xb6: {  	[dreg:$0x2] =	wrdreg s24  }
0xb7: {  	[dreg:$0x3] =	wrdreg s18  }
0xb8: {  	[dreg:$0x4] =	wrdreg s6  }
0xb9: {  	[dreg:$0x5] =	wrdreg s16  }
0xba: {  	[dreg:$0x6] =	wrdreg s17  }
0xbb: {  	[dreg:$0x7] =	wrdreg s5  }
0xbc: {  	[dreg:$0x8] =	wrdreg $0x1B8900  }
0xbd: {  	[dreg:$0x9] =	wrdreg $0x9  }
0xbe: {  	_ =	task.clear_ibuf [dreg:s11], $0xAFFFF;
	_ =	strace $0x90000046  }
0xbf: {  	s29 =	simm.s32 $0x9;
	_ =	strace $0x80000048  }
0xc0: {  	_ =	swait.ge [sflag:s29], $0x1  }
0xc1: {  	[sflag:s29] =	ssyncadd.s32 $0xFFFFFFFF  }
0xc2: {  	_ =	strace $0x90000048  }
0xc3: {  	_ =	sfence  }
0xc4: {  	s30 =	sld [smem:$0x0];
	_ =	sdelay $0x2  }
0xc5: {  	s31 =	sshll.u32 s1, $0xD;
	s1 =	sshrl.u32 s1, $0x2  }
0xc6: {  	s3 =	sand.u32 $0x4000, s31;
	s1 =	sadd.s32 s1, s30  }
0xc7: {  	s0 =	sor.u32 s3, s0;
	s1 =	sshll.u32 s1, $0x11  }
0xc8: {  	s0 =	sor.u32 s1, s0  }
0xc9: {  	s0 =	sadd.s32 $0x8F2B, s0  }
0xca: {  	[sflag:s0] =	ssyncadd.remote.s32 $0x1  }
0xcb: {  	_ =	sfence.sel $0xFFFF  }
0xcc: {  	[dreg:$0x0] =	wrdreg $0xFFFFFFFF;
	(pc) =	sbr.abs _section_cstart, $3  }
0xcd: {  	[dreg:$0x1] =	wrdreg $0xFFFFFFFF  }
0xce: {  	_ =	task.clear_ibuf [dreg:s11], $0x2FFFF;
	_ =	strace $0x9FFFFFFF  }
0xcf: {  	(tm) =	ssettm $0x7FFFFFFF  }
tec
execute0_lowered:
.L_overlay_start_1:
0x0: {  	(tag) =	ssettag $0x1  }
0x1: {  	s0 =	rddreg [dreg:$0x0]  }
0x2: {  	s1 =	rddreg [dreg:$0x4]  }
0x3: {  	s2 =	rddreg [dreg:$0x5]  }
0x4: {  	s10 =	rddreg [dreg:$0x6]  }
0x5: {  	s11 =	simm.s32 $0x0;
	s16 =	srdreg.scid;
	s13 =	stileid.u32  }
0x6: {  	s28 =	simm.s32 $0x1;
	[smem:$0x7FF] =	sst s11;
	s6 =	sadd.s32 $0xA00, s0  }
0x7: {  	s3 =	sadd.s32 $0x168200, s0;
	s12 =	sadd.s32 $0x38E00, s0;
	s4 =	sadd.s32 $0x1FE00, s0  }
0x8: {  	s17 =	sadd.s32 $0x51E00, s0;
	s18 =	sadd.s32 $0x6E00, s0;
	s5 =	sadd.s32 $0x6AE00, s0  }
0x9: {  	s20 =	smul.u32 $0x620, s13;
	_ =	strace $0x80000047;
	[dreg:$0x8] =	wrdreg s3  }
0xa: {  	s14 =	sadd.s32 $0x9CE00, s0;
	s23 =	smul.u32 $0x6300, s13;
	[dreg:$0xa] =	wrdreg s4  }
0xb: {  	s15 =	sadd.s32 $0x14D800, s0;
	s31 =	smul.u32 $0x6200, s13;
	[dreg:$0xb] =	wrdreg s17  }
0xc: {  	s7 =	sshll.u32 s13, $0x1;
	s29 =	smul.u32 $0xC800, s13;
	[dreg:$0xc] =	wrdreg s18  }
0xd: {  	s3 =	sand.u32 $0x1, s16;
	[dreg:$0xd] =	wrdreg s5;
	s16 =	sadd.s32 $0xCEE00, s0  }
0xe: {  	[dreg:$0x9] =	wrdreg s12;
	s19 =	smul.u32 $0x6200, s3;
	s21 =	sor.u32 s3, s7  }
0xf: {  	s22 =	ssub.s32 $0x2, s3;
	s30 =	sshrl.u32 s23, $0x2;
	p0 =	seq.s32 s3, $0x0  }
0x10: {  	s5 =	smul.u32 $0x50, s21;
	s9 =	sshrl.u32 s22, $0x1;
	s21 =	sadd.s32 $0x119E00, s0  }
0x11: {  	s4 =	sadd.s32 s20, s19;
	s7 =	ssub.s32 s22, s9;
	s19 =	sadd.s32 $0x100E00, s0  }
0x12: {  	s8 =	sshrl.u32 s4, $0x3;
	s26 =	sshrl.u32 s5, $0x3;
	s5 =	sadd.s32 s30, s10  }
0x13: {  	s20 =	sadd.s32 $0xE7E00, s0;
	s1 =	sadd.s32 s1, s8;
	[dreg:$0x10] =	wrdreg s5  }
0x14: {  	s24 =	sadd.s32 s2, s8;
	s25 =	sadd.s32 s8, s0;
	[dreg:$0xe] =	wrdreg s1  }
0x15: {  	s8 =	sshrl.u32 s31, $0x2;
	s31 =	smax.u32 s7, $0x1;
	[dreg:$0xf] =	wrdreg s24  }
0x16: {  	s22 =	sadd.s32 $0x132E00, s0;
	s9 =	sadd.s32 $0x14BE00, s25;
	[dreg:$0x1a] =	wrdreg s31  }
0x17: {  	s17 =	sshrl.u32 s4, $0x1;
	s1 =	sadd.s32 $0x166800, s25;
	[dreg:$0x11] =	wrdreg s9  }
0x18: {  	s2 =	sadd.s32 s26, s0;
	s0 =	sadd.s32 s8, s10;
	[dreg:$0x12] =	wrdreg s1  }
0x19: {  	s7 =	smul.u32 $0x14, s13;
	s18 =	sadd.s32 $0x168400, s2;
	[dreg:$0x13] =	wrdreg s0  }
0x1a: {  	s5 =	simm.s32 $0x1E00;
	s23 =	sadd.s32 $0x168402, s2;
	[dreg:$0x14] =	wrdreg s18  }
0x1b: {  	s24 =	smul.u32 $0xC8000, s3;
	s25 =	sadd.s32 $0x168404, s2;
	[dreg:$0x15] =	wrdreg s23  }
0x1c: {  	v0 =	vlaneseq.u32;
	s26 =	sadd.s32 $0x168406, s2;
	s30 =	sadd.s32 $0x168408, s2;
	[dreg:$0x17] =	wrdreg s25  }
0x1d: {  	v2 =	vand.u32 $0x1, v0;
	s3 =	simm.s32 $0x1400;
	s0 =	sadd.s32 s6, s17;
	[dreg:$0x18] =	wrdreg s26  }
0x1e: {  	v1 =	vimm.f32 $1.000000000e+00;
	v5 =	vshrl.u32 v0, $0x1;
	v2 =	vmul.u32 $0x4, v2;
	[dreg:$0x19] =	wrdreg s30;
	s17 =	simm.s32 $0x2;
	s18 =	simm.s32 $0x10400  }
0x1f: {  	v3 =	vimm.f32 $0.0e+00;
	v4 =	vmul.u32 $0x8, v0;
	v5 =	vmul.u32 $0x8, v5;
	s23 =	simm.s32 $0x15400;
	s9 =	simm.s32 $0xA00;
	s25 =	simm.s32 $0x6400  }
0x20: {  	v1 =	vpsel !p0, $0x0, v1;
	v6 =	vor.u32 $0x1, v2;
	v7 =	vor.u32 $0x2, v2;
	s26 =	simm.s32 $0xB400;
	s1 =	simm.s32 $0x0;
	[dreg:$0x16] =	wrdreg s0  }
.LBB2_1:
0x21: {  	[dreg:$0x1b] =	wrdreg s1  }
0x22: {  	s0 =	rddreg [dreg:$0x1];
	s31 =	simm.s32 $0x1B800  }
0x23: {  	[tilespmem:s31], [sflag:$0x2] =	stream.linear.gather [hbm4b:s0+s11], $0x10, $0x38;
	[tilespmem:$0x1EA10] =	vst v63  }
0x24: {  	_ =	swait.ge [sflag:s17], $0x10  }
0x25: {  	[sflag:s17] =	ssyncset.done $0x0  }
0x26: {  	[sflag:s17] =	ssyncadd.s32 $0xFFFFFFF0  }
0x27: {  	s4 =	simm.s32 $0x1B810;
	s2 =	rddreg [dreg:$0x2]  }
0x28: {  	[tilespmem:s4], [sflag:$0x2] =	stream.linear.gather [hbm4b:s2+s11], $0x10, $0x38;
	[tilespmem:$0x1EA10] =	vst v63  }
0x29: {  	_ =	swait.ge [sflag:s17], $0x10  }
0x2a: {  	[sflag:s17] =	ssyncset.done $0x0  }
0x2b: {  	s13 =	simm.s32 $0x1B820;
	s8 =	rddreg [dreg:$0x8];
	[sflag:s17] =	ssyncadd.s32 $0xFFFFFFF0  }
0x2c: {  	[tilespmem:s13], [sflag:$0x2] =	stream.linear.gather [hbm4b:s8+s11], $0x10, $0x38;
	[tilespmem:$0x1EA10] =	vst v63  }
0x2d: {  	_ =	swait.ge [sflag:s17], $0x10  }
0x2e: {  	[sflag:s17] =	ssyncset.done $0x0  }
0x2f: {  	[sflag:s17] =	ssyncadd.s32 $0xFFFFFFF0  }
0x30: {  	s31 =	simm.s32 $0x1B830;
	s30 =	rddreg [dreg:$0x3]  }
0x31: {  	[tilespmem:s31], [sflag:$0x2] =	stream.linear.gather [hbm4b:s30+s11], $0x10, $0x38;
	[tilespmem:$0x1EA10] =	vst v63  }
0x32: {  	_ =	swait.ge [sflag:s17], $0x10  }
0x33: {  	v12 =	vor.u32 s11, v0;
	[sflag:s17] =	ssyncset.done $0x0  }
0x34: {  	[sflag:s17] =	ssyncadd.s32 $0xFFFFFFF0  }
0x35: {  	v9 =	vld [tilespmem:$0x1B800]  }
0x36: {  	v10 =	vld [tilespmem:$0x1B830]  }
0x37: {  	v8 =	vld [tilespmem:$0x1B810]  }
0x38: {  	s0 =	simm.s32 $0x10;
	v11 =	vld [tilespmem:$0x1B820];
	[tilespmem:v12+s18+$0x0] =	vst.idx.msk $0xffff, v3  }
.LBB2_2:
0x39: {  	[tilespmem:v12+s23+$0x0] =	vst.idx.msk $0xffff, v3;
	v12 =	vor.u32 s0, v0;
	p0 =	sne.s32 s0, $0x4FF0  }
.Ltmp0:
0x3a: {  	s0 =	sadd.s32 $0x10, s0;
	(pc) =	sbr.rel @p0 .LBB2_2-.Ltmp0, $2  }
0x3b: {  	_ =	sdelay $0x2  }
0x3c: {  	[tilespmem:v12+s18+$0x0] =	vst.idx.msk $0xffff, v3  }
0x3d: {  	_ =	sdelay $0x3  }
0x3e: {  	[tilespmem:v12+s23+$0x0] =	vst.idx.msk $0xffff, v3;
	s0 =	rddreg [dreg:$0x10]  }
0x3f: {  	[spmem:s0] =	stream.linear.scatter [tilespmem:s18], [sflag:$0x2], $0x18C0, $0x38;
	[tilespmem:$0x1EA10] =	vst v63  }
0x40: {  	_ =	swait.ge [sflag:s17], $0x18C0  }
0x41: {  	[sflag:s17] =	ssyncset.done $0x0  }
0x42: {  	[sflag:s17] =	ssyncadd.s32 $0xFFFFE740  }
0x43: {  	[tilespmem:$0x1B840] =	vst v3  }
0x44: {  	[tilespmem:$0x1B850] =	vst v3  }
0x45: {  	[tilespmem:$0x1B860] =	vst v3  }
0x46: {  	[tilespmem:$0x1B870] =	vst v3  }
0x47: {  	[tilespmem:$0x1B880] =	vst v3  }
0x48: {  	[bflag:$0x0] =	sbarrier.arrive $0xFFFF  }
0x49: {  	s4 =	rddreg [dreg:$0xa]  }
0x4a: {  	s8 =	rddreg [dreg:$0xb]  }
0x4b: {  	s11 =	rddreg [dreg:$0xc]  }
0x4c: {  	s30 =	simm.s32 $0x0;
	s31 =	simm.s32 $0x0;
	s13 =	rddreg [dreg:$0xd]  }
.LBB2_4:
0x4d: {  	s0 =	smul.u32 $0xA00, s31;
	_ =	sdelay $0x1  }
0x4e: {  	s0 =	sadd.s32 s29, s0  }
0x4f: {  	s0 =	sshrl.u32 s0, $0x3  }
0x50: {  	s2 =	simm.s32 $0x2800;
	s1 =	sadd.s32 s15, s0  }
0x51: {  	[tilespmem:s2], [sflag:$0x2] =	stream.linear.gather [hbm4b:s1+s30], $0xA00, $0x38;
	[tilespmem:$0x1EA10] =	vst v63  }
0x52: {  	_ =	swait.ge [sflag:s17], $0xA00  }
0x53: {  	[sflag:s17] =	ssyncset.done $0x0  }
0x54: {  	s1 =	sadd.s32 s16, s0;
	s2 =	simm.s32 $0x3200;
	[sflag:s17] =	ssyncadd.s32 $0xFFFFF600  }
0x55: {  	[tilespmem:s2], [sflag:$0x2] =	stream.linear.gather [hbm4b:s1+s30], $0xA00, $0x38;
	[tilespmem:$0x1EA10] =	vst v63  }
0x56: {  	_ =	swait.ge [sflag:s17], $0xA00  }
0x57: {  	[sflag:s17] =	ssyncset.done $0x0  }
0x58: {  	s1 =	sadd.s32 s20, s0;
	s2 =	simm.s32 $0x3C00;
	[sflag:s17] =	ssyncadd.s32 $0xFFFFF600  }
0x59: {  	[tilespmem:s2], [sflag:$0x2] =	stream.linear.gather [hbm4b:s1+s30], $0xA00, $0x38;
	[tilespmem:$0x1EA10] =	vst v63  }
0x5a: {  	_ =	swait.ge [sflag:s17], $0xA00  }
0x5b: {  	[sflag:s17] =	ssyncset.done $0x0  }
0x5c: {  	s1 =	sadd.s32 s19, s0;
	s2 =	simm.s32 $0x4600;
	[sflag:s17] =	ssyncadd.s32 $0xFFFFF600  }
0x5d: {  	[tilespmem:s2], [sflag:$0x2] =	stream.linear.gather [hbm4b:s1+s30], $0xA00, $0x38;
	[tilespmem:$0x1EA10] =	vst v63  }
0x5e: {  	_ =	swait.ge [sflag:s17], $0xA00  }
0x5f: {  	[sflag:s17] =	ssyncset.done $0x0  }
0x60: {  	s1 =	sadd.s32 s21, s0;
	s2 =	simm.s32 $0x5000;
	[sflag:s17] =	ssyncadd.s32 $0xFFFFF600  }
0x61: {  	[tilespmem:s2], [sflag:$0x2] =	stream.linear.gather [hbm4b:s1+s30], $0xA00, $0x38;
	[tilespmem:$0x1EA10] =	vst v63  }
0x62: {  	_ =	swait.ge [sflag:s17], $0xA00  }
0x63: {  	[sflag:s17] =	ssyncset.done $0x0  }
0x64: {  	s1 =	sadd.s32 s22, s0;
	s2 =	simm.s32 $0x5A00;
	[sflag:s17] =	ssyncadd.s32 $0xFFFFF600  }
0x65: {  	[tilespmem:s2], [sflag:$0x2] =	stream.linear.gather [hbm4b:s1+s30], $0xA00, $0x38;
	[tilespmem:$0x1EA10] =	vst v63  }
0x66: {  	_ =	swait.ge [sflag:s17], $0xA00  }
0x67: {  	[sflag:s17] =	ssyncset.done $0x0  }
0x68: {  	s2 =	sadd.s32 s12, s0;
	[sflag:s17] =	ssyncadd.s32 $0xFFFFF600  }
0x69: {  	[tilespmem:s30], [sflag:$0x2] =	stream.linear.gather [hbm4b:s2+s30], $0xA00, $0x38;
	[tilespmem:$0x1EA10] =	vst v63  }
0x6a: {  	_ =	swait.ge [sflag:s17], $0xA00  }
0x6b: {  	[sflag:s17] =	ssyncset.done $0x0  }
0x6c: {  	s2 =	sadd.s32 s4, s0;
	[sflag:s17] =	ssyncadd.s32 $0xFFFFF600  }
0x6d: {  	[tilespmem:s9], [sflag:$0x2] =	stream.linear.gather [hbm4b:s2+s30], $0xA00, $0x38;
	[tilespmem:$0x1EA10] =	vst v63  }
0x6e: {  	_ =	swait.ge [sflag:s17], $0xA00  }
0x6f: {  	[sflag:s17] =	ssyncset.done $0x0  }
0x70: {  	s1 =	sadd.s32 s8, s0;
	s2 =	simm.s32 $0x1A400;
	[sflag:s17] =	ssyncadd.s32 $0xFFFFF600  }
0x71: {  	[tilespmem:s2], [sflag:$0x2] =	stream.linear.gather [hbm4b:s1+s30], $0xA00, $0x38;
	[tilespmem:$0x1EA10] =	vst v63  }
0x72: {  	_ =	swait.ge [sflag:s17], $0xA00  }
0x73: {  	s0 =	sadd.s32 s11, s0;
	s2 =	sadd.s32 s7, s31;
	[sflag:s17] =	ssyncset.done $0x0  }
0x74: {  	s1 =	smul.u32 $0xA00, s2;
	s2 =	simm.s32 $0x1AE00;
	[sflag:s17] =	ssyncadd.s32 $0xFFFFF600  }
0x75: {  	[tilespmem:s2], [sflag:$0x2] =	stream.linear.gather [hbm4b:s0+s30], $0xA00, $0x38;
	[tilespmem:$0x1EA10] =	vst v63  }
0x76: {  	s1 =	sadd.s32 s24, s1;
	_ =	swait.ge [sflag:s17], $0xA00  }
0x77: {  	s0 =	sshrl.u32 s1, $0x3;
	[sflag:s17] =	ssyncset.done $0x0  }
0x78: {  	s2 =	sadd.s32 s13, s0;
	[sflag:s17] =	ssyncadd.s32 $0xFFFFF600  }
0x79: {  	[tilespmem:s3], [sflag:$0x2] =	stream.linear.gather [hbm4b:s2+s30], $0xA00, $0x38;
	[tilespmem:$0x1EA10] =	vst v63  }
0x7a: {  	_ =	swait.ge [sflag:s17], $0xA00  }
0x7b: {  	[sflag:s17] =	ssyncset.done $0x0  }
0x7c: {  	s0 =	sadd.s32 s14, s0;
	[sflag:s17] =	ssyncadd.s32 $0xFFFFF600  }
0x7d: {  	[tilespmem:s5], [sflag:$0x2] =	stream.linear.gather [hbm4b:s0+s30], $0xA00, $0x38;
	[tilespmem:$0x1EA10] =	vst v63  }
0x7e: {  	_ =	swait.ge [sflag:s17], $0xA00  }
0x7f: {  	[sflag:s17] =	ssyncset.done $0x0  }
0x80: {  	[sflag:s17] =	ssyncadd.s32 $0xFFFFF600  }
0x81: {  	[tilespmem:s25], [sflag:$0x1] =	stream.indirect.gather [hbm4b:s6+s9], $0x8, s30, s9, $0xb8;
	[tilespmem:$0x1EA10] =	vst v63  }
0x82: {  	_ = 	snop  }
0x83: {  	[tilespmem:s26], [sflag:$0x1] =	stream.indirect.gather [hbm4b:s6+s9], $0x8, s9, s9, $0xb8;
	[tilespmem:$0x1EA10] =	vst v63  }
0x84: {  	_ =	swait.ge [sflag:s28], $0x5000  }
0x85: {  	[sflag:s28] =	ssyncset.done $0x0  }
0x86: {  	[sflag:s28] =	ssyncadd.s32 $0xFFFFB000  }
0x87: {  	_ =	swait.ge [sflag:s28], $0x5000  }
0x88: {  	[sflag:s28] =	ssyncset.done $0x0  }
0x89: {  	s2 =	simm.s32 $0x0;
	[sflag:s28] =	ssyncadd.s32 $0xFFFFB000  }
0x8a: {  	v18 =	vld [tilespmem:s2+$0x1A400]  }
0x8b: {  	v25 =	vld [tilespmem:s2+$0x1AE00];
	_ =	sdelay $0x1  }
0x8c: {  	v12 =	vmov s30  }
0x8d: {  	v12 =	vshll.u32 v12, $0x3  }
0x8e: {  	v27 =	vor.u32 v4, v12;
	v12 =	vadd.s32 $0x2, v18;
	v13 =	vand.u32 $0xFFFFFFF8, v18  }
0x8f: {  	v14 =	vand.u32 $0x7, v18;
	v16 =	vand.u32 $0xFFFFFFF8, v25;
	v19 =	vadd.s32 $0x1, v25  }
0x90: {  	v20 =	vadd.s32 $0x1, v18;
	v22 =	vand.u32 $0x7, v25;
	v17 =	vand.u32 $0x7, v12  }
0x91: {  	v21 =	vand.u32 $0xFFFFFFF8, v12;
	v12 =	vand.u32 $0xFFFFFFF8, v19;
	v13 =	vadd.s32 v27, v13  }
0x92: {  	v12 =	vadd.s32 v27, v12;
	v15 =	vor.u32 v14, v13;
	v13 =	vadd.s32 v27, v16  }
0x93: {  	v14 =	vld [tilespmem:s2+$0x2800];
	v16 =	vand.u32 $0x7, v19;
	v19 =	vand.u32 $0xFFFFFFF8, v20;
	v13 =	vor.u32 v22, v13  }
0x94: {  	v12 =	vor.u32 v16, v12;
	v16 =	vand.u32 $0x7, v20;
	v19 =	vadd.s32 v27, v19  }
0x95: {  	v23 =	vld [tilespmem:s2+$0x4600];
	v21 =	vadd.s32 v27, v21;
	v22 =	vadd.s32 $0x2, v25;
	v16 =	vor.u32 v16, v19  }
0x96: {  	v26 =	vld [tilespmem:s2+$0x3200];
	v17 =	vor.u32 v17, v21;
	v19 =	vand.u32 $0xFFFFFFF8, v22  }
0x97: {  	v21 =	vand.u32 $0x7, v22;
	v19 =	vadd.s32 v27, v19;
	v22 =	vld.idx.msk [tilespmem:v15+s25+$0x0], $0xffff  }
0x98: {  	(erf) = vrcp.f32 v14;
	v14 =	vor.u32 v21, v19;
	v24 =	vld.idx.msk [tilespmem:v13+s26+$0x0], $0xffff  }
0x99: {  	v28 =	vld.idx.msk [tilespmem:v12+s26+$0x0], $0xffff  }
0x9a: {  	v29 =	vld.idx.msk [tilespmem:v16+s25+$0x0], $0xffff  }
0x9b: {  	v31 =	vld.idx.msk [tilespmem:v17+s25+$0x0], $0xffff  }
0x9c: {  	v30 =	vld [tilespmem:s2+$0x5A00]  }
0x9d: {  	v53 =	vmul.f32 v23, v26;
	v23 =	vsub.s32 $0x6, v18;
	v21 =	vsub.s32 $0x4, v18;
	v33 =	vld.idx.msk [tilespmem:v14+s26+$0x0], $0xffff  }
0x9e: {  	v36 =	vand.u32 $0xFFFFFFF8, v23;
	v20 =	vld [tilespmem:s2+$0x3C00];
	v32 =	vand.u32 $0xFFFFFFF8, v21  }
0x9f: {  	v35 =	vsub.f32 v22, v24;
	v24 =	vadd.s32 v27, v32;
	v32 =	vld [tilespmem:s2+$0x5000];
	v28 =	vsub.f32 v29, v28  }
0xa0: {  	v19 =	vsub.s32 $0x5, v18;
	v18 =	vsub.s32 $0x4, v25;
	v31 =	vmul.f32 v31, v8  }
0xa1: {  	v34 =	vand.u32 $0xFFFFFFF8, v19;
	v29 =	vmul.f32 v35, v9;
	v54 =	vpop (erf);
	v28 =	vmul.f32 v28, v9  }
0xa2: {  	v22 =	vadd.s32 v27, v34;
	v34 =	vmul.f32 v53, v54;
	v33 =	vmul.f32 v33, v8  }
0xa3: {  	v26 =	vmul.f32 v20, v26;
	v38 =	vsub.f32 $0.0e+00, v31;
	v37 =	vmul.f32 v29, v30  }
0xa4: {  	v39 =	vmul.f32 v28, v32;
	v31 =	vmul.f32 v34, v54;
	v40 =	vsub.f32 $0.0e+00, v33  }
0xa5: {  	v20 =	vsub.s32 $0x5, v25;
	v29 =	vmul.f32 v29, v32;
	v28 =	vmul.f32 v28, v30  }
0xa6: {  	v37 =	vsub.f32 v39, v37;
	v55 =	vmul.f32 v31, v54;
	v56 =	vadd.f32 v40, v38  }
0xa7: {  	v26 =	vmul.f32 v26, v54;
	v29 =	vadd.f32 v28, v29;
	v28 =	vmul.f32 $4.000000000e+00, v38  }
0xa8: {  	v57 =	vadd.f32 v40, v40;
	v33 =	vmul.f32 v37, v55;
	v39 =	vmul.f32 v56, v31  }
0xa9: {  	v42 =	vadd.f32 v38, v38;
	v43 =	vmul.f32 $4.000000000e+00, v40;
	v41 =	vmul.f32 v37, v31  }
0xaa: {  	v28 =	vadd.f32 v57, v28;
	v33 =	vmul.f32 $1.200000000e+01, v33;
	v39 =	vmul.f32 $6.000000000e+00, v39  }
0xab: {  	v60 =	vand.u32 $0xFFFFFFF8, v18;
	v35 =	vmul.f32 v29, v26;
	v26 =	vadd.f32 v43, v42  }
0xac: {  	v58 =	vmul.f32 $6.000000000e+00, v41;
	v59 =	vmul.f32 v28, v34;
	v39 =	vadd.f32 v39, v33  }
0xad: {  	v61 =	vand.u32 $0xFFFFFFF8, v20;
	v28 =	vsub.s32 $0x6, v25;
	v25 =	vmul.f32 v26, v34  }
0xae: {  	v26 =	vmul.f32 v35, v29;
	v34 =	vadd.f32 v59, v58;
	v37 =	vmul.f32 v39, v37  }
0xaf: {  	v31 =	vadd.s32 v27, v36;
	v29 =	vadd.s32 v27, v60;
	v62 =	vand.u32 $0xFFFFFFF8, v28  }
0xb0: {  	v33 =	vadd.f32 v25, v58;
	v38 =	vmul.f32 v34, v38;
	v63 =	vadd.f32 v37, v26  }
0xb1: {  	v36 =	vmul.f32 v39, v32;
	v26 =	vadd.s32 v27, v61;
	v27 =	vadd.s32 v27, v62  }
0xb2: {  	s1 =	simm.s32 $0x0;
	s0 =	simm.s32 $0x40;
	v25 =	vld [tilespmem:$0x1B840];
	v37 =	vmul.f32 v39, v30;
	v39 =	vmul.f32 v33, v40;
	v38 =	vadd.f32 v63, v38  }
.LBB2_5:
0xb3: {  	p0 =	sne.s32 s0, $0x27C0  }
0xb4: {  	s1 =	sadd.s32 $0x10, s1;
	s2 =	smov.u32 s0;
	s0 =	sadd.s32 $0x40, s0  }
0xb5: {  	v38 =	vadd.f32 v38, v39;
	_ =	sdelay $0x1  }
0xb6: {  	v38 =	vmul.f32 v38, v1  }
0xb7: {  	v32 =	vmul.f32 v35, v32  }
0xb8: {  	v30 =	vmul.f32 v35, v30;
	v21 =	vand.u32 $0x7, v21;
	s2 =	sshra.s32 s2, $0x2;
	v25 =	vadd.f32 v38, v25  }
0xb9: {  	v19 =	vand.u32 $0x7, v19;
	v21 =	vor.u32 v21, v24;
	v32 =	vsub.f32 v32, v37  }
0xba: {  	v19 =	vor.u32 v19, v22;
	v22 =	vand.u32 $0x7, v23;
	v24 =	vadd.f32 v36, v30;
	[tilespmem:$0x1B840] =	vst v25  }
0xbb: {  	v22 =	vor.u32 v22, v31;
	[tilespmem:v15+s18+$0x0] =	vst.idx.msk $0xffff, v32;
	v15 =	vsub.f32 $0.0e+00, v34  }
0xbc: {  	[tilespmem:v16+s18+$0x0] =	vst.idx.msk $0xffff, v24  }
0xbd: {  	v16 =	vmov s1;
	[tilespmem:v17+s18+$0x0] =	vst.idx.msk $0xffff, v15  }
0xbe: {  	v15 =	vshll.u32 v16, $0x3;
	v16 =	vand.u32 $0x7, v18;
	v17 =	vand.u32 $0x7, v28;
	[tilespmem:v21+s18+$0x0] =	vst.idx.msk $0xffff, v3  }
0xbf: {  	v18 =	vsub.f32 $0.0e+00, v32;
	v16 =	vor.u32 v16, v29;
	[tilespmem:v19+s18+$0x0] =	vst.idx.msk $0xffff, v3;
	v19 =	vand.u32 $0x7, v20  }
0xc0: {  	v32 =	vor.u32 v4, v15;
	v15 =	vsub.f32 $0.0e+00, v24;
	[tilespmem:v22+s18+$0x0] =	vst.idx.msk $0xffff, v3;
	v19 =	vor.u32 v19, v26  }
0xc1: {  	v17 =	vor.u32 v17, v27;
	[tilespmem:v13+s23+$0x0] =	vst.idx.msk $0xffff, v18;
	v13 =	vsub.f32 $0.0e+00, v33  }
0xc2: {  	[tilespmem:v12+s23+$0x0] =	vst.idx.msk $0xffff, v15  }
0xc3: {  	[tilespmem:v14+s23+$0x0] =	vst.idx.msk $0xffff, v13  }
0xc4: {  	[tilespmem:v16+s23+$0x0] =	vst.idx.msk $0xffff, v3  }
0xc5: {  	[tilespmem:v19+s23+$0x0] =	vst.idx.msk $0xffff, v3  }
0xc6: {  	[tilespmem:v17+s23+$0x0] =	vst.idx.msk $0xffff, v3  }
0xc7: {  	v18 =	vld [tilespmem:s2+$0x1A400]  }
0xc8: {  	v27 =	vld [tilespmem:s2+$0x1AE00]  }
0xc9: {  	v25 =	vld [tilespmem:$0x1B840];
	_ =	sdelay $0x2  }
0xca: {  	v12 =	vand.u32 $0xFFFFFFF8, v18;
	v13 =	vand.u32 $0x7, v18;
	v14 =	vadd.s32 $0x2, v18  }
0xcb: {  	v17 =	vand.u32 $0x7, v14;
	v16 =	vand.u32 $0xFFFFFFF8, v27;
	v19 =	vadd.s32 $0x1, v27  }
0xcc: {  	v20 =	vadd.s32 $0x1, v18;
	v14 =	vand.u32 $0xFFFFFFF8, v14;
	v15 =	vand.u32 $0xFFFFFFF8, v19  }
0xcd: {  	v12 =	vadd.s32 v32, v12;
	v21 =	vand.u32 $0x7, v27;
	v22 =	vadd.s32 v32, v15  }
0xce: {  	v15 =	vor.u32 v13, v12;
	v12 =	vadd.s32 v32, v16;
	v16 =	vand.u32 $0x7, v19  }
0xcf: {  	v19 =	vand.u32 $0xFFFFFFF8, v20;
	v13 =	vor.u32 v21, v12;
	v12 =	vor.u32 v16, v22;
	v23 =	vld [tilespmem:s2+$0x2800]  }
0xd0: {  	v16 =	vand.u32 $0x7, v20;
	v19 =	vadd.s32 v32, v19;
	v20 =	vadd.s32 $0x2, v27;
	v33 =	vld [tilespmem:s2+$0x3C00]  }
0xd1: {  	v14 =	vadd.s32 v32, v14;
	v16 =	vor.u32 v16, v19;
	v19 =	vand.u32 $0xFFFFFFF8, v20;
	v34 =	vld [tilespmem:s2+$0x4600]  }
0xd2: {  	v17 =	vor.u32 v17, v14;
	v14 =	vand.u32 $0x7, v20;
	v19 =	vadd.s32 v32, v19;
	v35 =	vld [tilespmem:s2+$0x3200]  }
0xd3: {  	v21 =	vsub.s32 $0x4, v18;
	v14 =	vor.u32 v14, v19;
	v19 =	vsub.s32 $0x5, v18;
	v36 =	vld.idx.msk [tilespmem:v15+s25+$0x0], $0xffff  }
0xd4: {  	v20 =	vand.u32 $0xFFFFFFF8, v21;
	v22 =	vand.u32 $0xFFFFFFF8, v19;
	v37 =	vld.idx.msk [tilespmem:v12+s26+$0x0], $0xffff;
	(erf) = vrcp.f32 v23  }
0xd5: {  	v24 =	vadd.s32 v32, v20;
	v22 =	vadd.s32 v32, v22;
	v23 =	vsub.s32 $0x6, v18;
	v38 =	vld.idx.msk [tilespmem:v13+s26+$0x0], $0xffff  }
0xd6: {  	v20 =	vsub.s32 $0x5, v27;
	v18 =	vsub.s32 $0x4, v27;
	v26 =	vand.u32 $0xFFFFFFF8, v23;
	v39 =	vld.idx.msk [tilespmem:v16+s25+$0x0], $0xffff  }
0xd7: {  	v28 =	vand.u32 $0xFFFFFFF8, v20;
	v31 =	vadd.s32 v32, v26;
	v26 =	vand.u32 $0xFFFFFFF8, v18;
	v40 =	vld.idx.msk [tilespmem:v17+s25+$0x0], $0xffff  }
0xd8: {  	v29 =	vadd.s32 v32, v26;
	v26 =	vadd.s32 v32, v28;
	v28 =	vsub.s32 $0x6, v27;
	v41 =	vld.idx.msk [tilespmem:v14+s26+$0x0], $0xffff  }
0xd9: {  	v27 =	vand.u32 $0xFFFFFFF8, v28  }
0xda: {  	v27 =	vadd.s32 v32, v27;
	v30 =	vld [tilespmem:s2+$0x5A00]  }
0xdb: {  	v36 =	vsub.f32 v36, v38;
	v32 =	vld [tilespmem:s2+$0x5000]  }
0xdc: {  	v33 =	vmul.f32 v33, v35;
	v34 =	vmul.f32 v34, v35;
	v35 =	vsub.f32 v39, v37  }
0xdd: {  	v36 =	vmul.f32 v36, v9;
	v37 =	vmul.f32 v40, v8;
	v38 =	vpop (erf)  }
0xde: {  	v35 =	vmul.f32 v35, v9;
	v34 =	vmul.f32 v34, v38  }
0xdf: {  	v40 =	vsub.f32 $0.0e+00, v37;
	v37 =	vmul.f32 v41, v8;
	v39 =	vmul.f32 v36, v30  }
0xe0: {  	v41 =	vmul.f32 v34, v38;
	v42 =	vmul.f32 v35, v32  }
0xe1: {  	v36 =	vmul.f32 v36, v32;
	v35 =	vmul.f32 v35, v30;
	v43 =	vsub.f32 $0.0e+00, v37  }
0xe2: {  	v33 =	vmul.f32 v33, v38;
	v37 =	vmul.f32 v41, v38;
	v38 =	vsub.f32 v42, v39  }
0xe3: {  	v36 =	vadd.f32 v35, v36;
	v35 =	vadd.f32 v43, v40;
	v39 =	vmul.f32 $4.000000000e+00, v40  }
0xe4: {  	v44 =	vadd.f32 v43, v43;
	v42 =	vmul.f32 v38, v41;
	v37 =	vmul.f32 v38, v37  }
0xe5: {  	v45 =	vadd.f32 v40, v40;
	v46 =	vmul.f32 $4.000000000e+00, v43;
	v41 =	vmul.f32 v35, v41  }
0xe6: {  	v35 =	vmul.f32 v36, v33;
	v33 =	vadd.f32 v44, v39  }
0xe7: {  	v37 =	vmul.f32 $1.200000000e+01, v37;
	v39 =	vmul.f32 $6.000000000e+00, v41;
	v41 =	vadd.f32 v46, v45  }
0xe8: {  	v42 =	vmul.f32 $6.000000000e+00, v42;
	v33 =	vmul.f32 v33, v34  }
0xe9: {  	v39 =	vadd.f32 v39, v37;
	v37 =	vmul.f32 v41, v34;
	v41 =	vmul.f32 v35, v36  }
0xea: {  	v34 =	vadd.f32 v33, v42  }
.Ltmp1:
0xeb: {  	v33 =	vadd.f32 v37, v42;
	v37 =	vmul.f32 v39, v30;
	v38 =	vmul.f32 v39, v38;
	(pc) =	sbr.rel @p0 .LBB2_5-.Ltmp1, $3  }
0xec: {  	v36 =	vmul.f32 v39, v32;
	v39 =	vmul.f32 v34, v40  }
0xed: {  	v38 =	vadd.f32 v38, v41;
	_ =	sdelay $0x1  }
0xee: {  	v38 =	vadd.f32 v38, v39;
	v39 =	vmul.f32 v33, v43  }
0xef: {  	_ = 	snop  }
0xf0: {  	v38 =	vadd.f32 v38, v39;
	_ =	sdelay $0x1  }
0xf1: {  	v38 =	vmul.f32 v38, v1  }
0xf2: {  	v32 =	vmul.f32 v35, v32  }
0xf3: {  	v30 =	vmul.f32 v35, v30;
	v21 =	vand.u32 $0x7, v21;
	v25 =	vadd.f32 v38, v25  }
0xf4: {  	v19 =	vand.u32 $0x7, v19;
	v21 =	vor.u32 v21, v24;
	v32 =	vsub.f32 v32, v37  }
0xf5: {  	v55 =	vand.u32 $0x7, v23;
	v19 =	vor.u32 v19, v22;
	v54 =	vadd.f32 v36, v30;
	[tilespmem:$0x1B840] =	vst v25  }
0xf6: {  	v56 =	vsub.f32 $0.0e+00, v34;
	v22 =	vor.u32 v55, v31;
	[tilespmem:v15+s18+$0x0] =	vst.idx.msk $0xffff, v32  }
0xf7: {  	[tilespmem:v16+s18+$0x0] =	vst.idx.msk $0xffff, v54  }
0xf8: {  	[tilespmem:v17+s18+$0x0] =	vst.idx.msk $0xffff, v56  }
0xf9: {  	v57 =	vand.u32 $0x7, v18;
	[tilespmem:v21+s18+$0x0] =	vst.idx.msk $0xffff, v3  }
0xfa: {  	v59 =	vand.u32 $0x7, v20;
	v58 =	vsub.f32 $0.0e+00, v32;
	v15 =	vor.u32 v57, v29;
	[tilespmem:v19+s18+$0x0] =	vst.idx.msk $0xffff, v3  }
0xfb: {  	v60 =	vand.u32 $0x7, v28;
	v61 =	vsub.f32 $0.0e+00, v54;
	v17 =	vor.u32 v59, v26;
	[tilespmem:v22+s18+$0x0] =	vst.idx.msk $0xffff, v3  }
0xfc: {  	v62 =	vsub.f32 $0.0e+00, v33;
	v63 =	vor.u32 v60, v27;
	[tilespmem:v13+s23+$0x0] =	vst.idx.msk $0xffff, v58  }
0xfd: {  	[tilespmem:v12+s23+$0x0] =	vst.idx.msk $0xffff, v61  }
0xfe: {  	[tilespmem:v14+s23+$0x0] =	vst.idx.msk $0xffff, v62  }
0xff: {  	[tilespmem:v15+s23+$0x0] =	vst.idx.msk $0xffff, v3  }
0x100: {  	[tilespmem:v17+s23+$0x0] =	vst.idx.msk $0xffff, v3  }
0x101: {  	[tilespmem:v63+s23+$0x0] =	vst.idx.msk $0xffff, v3  }
0x102: {  	[spmem:s10] =	stream.indirect.scatter.add.f32 [tilespmem:s18], [sflag:$0x2], $0x8, s3, s9, $0xb8;
	[tilespmem:$0x1EA10] =	vst v63  }
0x103: {  	s31 =	sadd.s32 $0x1, s31;
	_ =	swait.ge [sflag:s17], $0x5000  }
0x104: {  	p0 =	sne.s32 s31, $0x14;
	[sflag:s17] =	ssyncset.done $0x0  }
.Ltmp2:
0x105: {  	[sflag:s17] =	ssyncadd.s32 $0xFFFFB000;
	(pc) =	sbr.rel @p0 .LBB2_4-.Ltmp2, $4  }
0x106: {  	[spmem:s10] =	stream.indirect.scatter.add.f32 [tilespmem:s23], [sflag:$0x2], $0x8, s5, s9, $0xb8;
	[tilespmem:$0x1EA10] =	vst v63  }
0x107: {  	_ =	swait.ge [sflag:s17], $0x5000  }
0x108: {  	[sflag:s17] =	ssyncset.done $0x0  }
0x109: {  	[sflag:s17] =	ssyncadd.s32 $0xFFFFB000  }
0x10a: {  	[bflag:$0x0] =	sbarrier.arrive $0xFFFF  }
0x10b: {  	s0 =	simm.s32 $0x0;
	s1 =	simm.s32 $0x2800;
	s2 =	rddreg [dreg:$0xe]  }
0x10c: {  	[tilespmem:s1], [sflag:$0x2] =	stream.linear.gather [hbm4b:s2+s0], $0x620, $0x38;
	[tilespmem:$0x1EA10] =	vst v63  }
0x10d: {  	_ =	swait.ge [sflag:s17], $0x620  }
0x10e: {  	[sflag:s17] =	ssyncset.done $0x0  }
0x10f: {  	s12 =	simm.s32 $0x3200;
	s4 =	rddreg [dreg:$0xf];
	[sflag:s17] =	ssyncadd.s32 $0xFFFFF9E0  }
0x110: {  	[tilespmem:s12], [sflag:$0x2] =	stream.linear.gather [hbm4b:s4+s0], $0x620, $0x38;
	[tilespmem:$0x1EA10] =	vst v63  }
0x111: {  	_ =	swait.ge [sflag:s17], $0x620  }
0x112: {  	[sflag:s17] =	ssyncset.done $0x0  }
0x113: {  	s4 =	simm.s32 $0x3C00;
	s8 =	rddreg [dreg:$0x11];
	[sflag:s17] =	ssyncadd.s32 $0xFFFFF9E0  }
0x114: {  	[tilespmem:s4], [sflag:$0x2] =	stream.linear.gather [hbm4b:s8+s0], $0x620, $0x38;
	[tilespmem:$0x1EA10] =	vst v63  }
0x115: {  	_ =	swait.ge [sflag:s17], $0x620  }
0x116: {  	[sflag:s17] =	ssyncset.done $0x0  }
0x117: {  	s8 =	simm.s32 $0x4600;
	s10 =	rddreg [dreg:$0x12];
	[sflag:s17] =	ssyncadd.s32 $0xFFFFF9E0  }
0x118: {  	[tilespmem:s8], [sflag:$0x2] =	stream.linear.gather [hbm4b:s10+s0], $0x620, $0x38;
	[tilespmem:$0x1EA10] =	vst v63  }
0x119: {  	_ =	swait.ge [sflag:s17], $0x620  }
0x11a: {  	[sflag:s17] =	ssyncset.done $0x0  }
0x11b: {  	s13 =	rddreg [dreg:$0x13];
	[sflag:s17] =	ssyncadd.s32 $0xFFFFF9E0  }
0x11c: {  	[tilespmem:s18], [sflag:$0x2] =	stream.linear.gather [spmem:s13], $0x1880, $0x38;
	[tilespmem:$0x1EA10] =	vst v63  }
0x11d: {  	_ =	swait.ge [sflag:s17], $0x1880  }
0x11e: {  	v12 =	vmov s0;
	[sflag:s17] =	ssyncset.done $0x0  }
0x11f: {  	v12 =	vshll.u32 v12, $0x3;
	s11 =	rddreg [dreg:$0x16];
	[sflag:s17] =	ssyncadd.s32 $0xFFFFE780  }
0x120: {  	v12 =	vor.u32 v5, v12;
	[tilespmem:s26], [sflag:$0x2] =	stream.linear.gather [hbm4b:s11+s0], $0x1880, $0x38;
	[tilespmem:$0x1EA10] =	vst v63  }
0x121: {  	v13 =	vor.u32 v2, v12;
	_ =	swait.ge [sflag:s17], $0x1880  }
0x122: {  	v14 =	vor.u32 v6, v12;
	[sflag:s17] =	ssyncset.done $0x0  }
0x123: {  	[sflag:s17] =	ssyncadd.s32 $0xFFFFE780  }
0x124: {  	v17 =	vld [tilespmem:s12+$0x0]  }
0x125: {  	v20 =	vor.u32 v7, v12;
	v21 =	vld [tilespmem:s1+$0x0]  }
0x126: {  	v12 =	vld.idx.msk [tilespmem:v13+s18+$0x0], $0xffff  }
0x127: {  	v16 =	vld.idx.msk [tilespmem:v14+s18+$0x0], $0xffff  }
0x128: {  	v19 =	vld.idx.msk [tilespmem:v14+s26+$0x0], $0xffff  }
0x129: {  	v24 =	vld.idx.msk [tilespmem:v13+s26+$0x0], $0xffff  }
0x12a: {  	s12 =	simm.s32 $0x8;
	v25 =	vld.idx.msk [tilespmem:v20+s18+$0x0], $0xffff  }
0x12b: {  	v15 =	vld [tilespmem:s4+$0x0];
	v13 =	vmov s12  }
0x12c: {  	v13 =	vshll.u32 v13, $0x3  }
0x12d: {  	v18 =	vor.u32 v5, v13  }
0x12e: {  	s31 =	simm.s32 $0x3210;
	v13 =	vor.u32 v2, v18;
	v14 =	vor.u32 v6, v18;
	v22 =	vadd.f32 v12, v21  }
0x12f: {  	s30 =	simm.s32 $0x3C20;
	s2 =	simm.s32 $0x4610;
	s13 =	simm.s32 $0x10;
	v20 =	vld.idx.msk [tilespmem:v20+s26+$0x0], $0xffff;
	v23 =	vadd.f32 v16, v17;
	v12 =	vor.u32 v7, v18;
	v19 =	vmul.f32 v19, v17  }
0x130: {  	s10 =	simm.s32 $0x2810;
	s11 =	simm.s32 $0x18;
	s0 =	simm.s32 $0x4620;
	v18 =	vld [tilespmem:s8+$0x0];
	v17 =	vmov s13;
	v21 =	vmul.f32 v24, v21;
	v24 =	vadd.f32 v25, v15  }
0x131: {  	s4 =	simm.s32 $0x3C10;
	s1 =	simm.s32 $0x2810;
	v16 =	vld [tilespmem:$0x1B880];
	s8 =	simm.s32 $0x3210;
	v17 =	vshll.u32 v17, $0x3;
	v22 =	vmul.f32 v22, v11;
	v23 =	vmul.f32 v23, v11  }
.LBB2_8:
0x132: {  	s1 =	sadd.s32 $0x10, s1  }
0x133: {  	v17 =	vor.u32 v5, v17;
	s31 =	sadd.s32 $0x10, s31;
	v22 =	vmul.f32 v22, v22;
	v23 =	vmul.f32 v23, v23;
	s12 =	smov.u32 s11;
	s13 =	sadd.s32 $0x8, s11  }
0x134: {  	p0 =	sne.s32 s11, $0x308;
	v25 =	vor.u32 v2, v17;
	v26 =	vor.u32 v6, v17;
	v24 =	vmul.f32 v24, v10  }
0x135: {  	v27 =	vor.u32 v7, v17;
	vm0 =	vlt.f32 v18, $5.000000000e-01;
	v17 =	vld [tilespmem:$0x1B860]  }
0x136: {  	v19 =	vadd.f32 v19, v21;
	v18 =	vadd.f32 v23, v22;
	v22 =	vmul.f32 v24, v24;
	v23 =	vld [tilespmem:$0x1B870]  }
0x137: {  	v21 =	vld [tilespmem:$0x1B850]  }
0x138: {  	v19 =	vmul.f32 v19, v9;
	v15 =	vmul.f32 v20, v15;
	v18 =	vadd.f32 v22, v18  }
0x139: {  	v20 =	vsel vm0, $0x3F800000, v3  }
0x13a: {  	v16 =	vadd.f32 v16, v19;
	v22 =	vmul.f32 v18, v20;
	v17 =	vadd.f32 v17, v18  }
0x13b: {  	v15 =	vmul.f32 v15, v8;
	v18 =	vadd.f32 v23, v20  }
0x13c: {  	v19 =	vadd.f32 v22, v21;
	[tilespmem:$0x1B860] =	vst v17  }
0x13d: {  	v15 =	vadd.f32 v16, v15;
	[tilespmem:$0x1B870] =	vst v18  }
0x13e: {  	[tilespmem:$0x1B850] =	vst v19  }
0x13f: {  	[tilespmem:$0x1B880] =	vst v15  }
0x140: {  	v17 =	vld [tilespmem:s8+$0x0];
	s8 =	smov.u32 s31  }
0x141: {  	v20 =	vld [tilespmem:s10+$0x0];
	s10 =	smov.u32 s1  }
0x142: {  	v16 =	vld.idx.msk [tilespmem:v13+s18+$0x0], $0xffff  }
0x143: {  	v19 =	vld.idx.msk [tilespmem:v14+s18+$0x0], $0xffff  }
0x144: {  	v21 =	vld.idx.msk [tilespmem:v14+s26+$0x0], $0xffff;
	v14 =	vmov v26  }
0x145: {  	v24 =	vld.idx.msk [tilespmem:v13+s26+$0x0], $0xffff;
	v13 =	vmov v25  }
0x146: {  	v25 =	vld.idx.msk [tilespmem:v12+s18+$0x0], $0xffff  }
0x147: {  	v15 =	vld [tilespmem:s4+$0x0];
	s4 =	smov.u32 s30  }
.Ltmp3:
0x148: {  	v22 =	vadd.f32 v16, v20;
	v16 =	vld [tilespmem:$0x1B880];
	(pc) =	sbr.rel @p0 .LBB2_8-.Ltmp3, $4  }
0x149: {  	v23 =	vadd.f32 v19, v17;
	v18 =	vld [tilespmem:s2+$0x0];
	s2 =	smov.u32 s0  }
0x14a: {  	v22 =	vmul.f32 v22, v11;
	v19 =	vmul.f32 v21, v17  }
0x14b: {  	v17 =	vmov s12;
	v23 =	vmul.f32 v23, v11;
	v21 =	vmul.f32 v24, v20  }
0x14c: {  	s11 =	smov.u32 s13;
	s30 =	sadd.s32 $0x10, s30;
	s0 =	sadd.s32 $0x10, s0;
	v17 =	vshll.u32 v17, $0x3;
	v20 =	vld.idx.msk [tilespmem:v12+s26+$0x0], $0xffff;
	v24 =	vadd.f32 v25, v15;
	v12 =	vmov v27  }
0x14d: {  	v22 =	vmul.f32 v22, v22  }
0x14e: {  	v23 =	vmul.f32 v23, v23;
	v60 =	vld [tilespmem:$0x1B870];
	v24 =	vmul.f32 v24, v10  }
0x14f: {  	v25 =	vld [tilespmem:$0x1B860];
	v19 =	vadd.f32 v19, v21  }
0x150: {  	v22 =	vadd.f32 v23, v22;
	v59 =	vmul.f32 v24, v24  }
0x151: {  	v61 =	vld [tilespmem:$0x1B850];
	vm0 =	vlt.f32 v18, $5.000000000e-01;
	v19 =	vmul.f32 v19, v9;
	v15 =	vmul.f32 v20, v15  }
0x152: {  	v63 =	vsel vm0, $0x3F800000, v3;
	v62 =	vadd.f32 v59, v22  }
0x153: {  	v16 =	vadd.f32 v16, v19;
	v26 =	vadd.f32 v60, v63;
	v15 =	vmul.f32 v15, v8  }
0x154: {  	v22 =	vmul.f32 v62, v63;
	v18 =	vadd.f32 v25, v62  }
0x155: {  	[tilespmem:$0x1B870] =	vst v26;
	v15 =	vadd.f32 v16, v15  }
0x156: {  	v27 =	vadd.f32 v22, v61;
	[tilespmem:$0x1B860] =	vst v18  }
0x157: {  	[tilespmem:$0x1B880] =	vst v15  }
0x158: {  	[tilespmem:$0x1B850] =	vst v27  }
0x159: {  	v15 =	vld [tilespmem:s8+$0x0]  }
0x15a: {  	v28 =	vld [tilespmem:s10+$0x0]  }
0x15b: {  	v18 =	vld.idx.msk [tilespmem:v13+s18+$0x0], $0xffff  }
0x15c: {  	v19 =	vld.idx.msk [tilespmem:v14+s18+$0x0], $0xffff  }
0x15d: {  	v20 =	vld.idx.msk [tilespmem:v12+s18+$0x0], $0xffff  }
0x15e: {  	v29 =	vld [tilespmem:s4+$0x0]  }
0x15f: {  	v30 =	vld.idx.msk [tilespmem:v14+s26+$0x0], $0xffff  }
0x160: {  	v31 =	vld.idx.msk [tilespmem:v13+s26+$0x0], $0xffff;
	_ =	sdelay $0x2  }
0x161: {  	v33 =	vld [tilespmem:s2+$0x0]  }
0x162: {  	v34 =	vld.idx.msk [tilespmem:v12+s26+$0x0], $0xffff;
	v18 =	vadd.f32 v18, v28;
	v19 =	vadd.f32 v19, v15  }
0x163: {  	v20 =	vadd.f32 v20, v29;
	v14 =	vmul.f32 v30, v15;
	v13 =	vmul.f32 v31, v28  }
0x164: {  	v18 =	vmul.f32 v18, v11;
	v19 =	vmul.f32 v19, v11  }
0x165: {  	v32 =	vld [tilespmem:$0x1B880];
	v20 =	vmul.f32 v20, v10  }
0x166: {  	v38 =	vld [tilespmem:$0x1B870];
	v13 =	vadd.f32 v14, v13;
	v18 =	vmul.f32 v18, v18;
	v19 =	vmul.f32 v19, v19  }
0x167: {  	vm14 =	vlt.f32 v33, $5.000000000e-01;
	v12 =	vmul.f32 v34, v29  }
0x168: {  	v35 =	vld [tilespmem:$0x1B860];
	v37 =	vmul.f32 v20, v20;
	v13 =	vmul.f32 v13, v9;
	v36 =	vadd.f32 v19, v18  }
0x169: {  	v39 =	vld [tilespmem:$0x1B850];
	v40 =	vsel vm14, $0x3F800000, v3  }
0x16a: {  	v12 =	vmul.f32 v12, v8;
	v13 =	vadd.f32 v32, v13;
	v16 =	vadd.f32 v37, v36  }
0x16b: {  	v42 =	vadd.f32 v38, v40  }
0x16c: {  	v12 =	vadd.f32 v13, v12;
	v41 =	vmul.f32 v16, v40  }
0x16d: {  	v17 =	vor.u32 v5, v17;
	[tilespmem:$0x1B870] =	vst v42;
	v15 =	vadd.f32 v35, v16  }
0x16e: {  	v43 =	vor.u32 v2, v17;
	[tilespmem:$0x1B880] =	vst v12;
	v14 =	vadd.f32 v41, v39  }
0x16f: {  	v44 =	vor.u32 v6, v17;
	[tilespmem:$0x1B860] =	vst v15  }
0x170: {  	s11 =	sadd.s32 $0x10, s31;
	v45 =	vor.u32 v7, v17;
	[tilespmem:$0x1B850] =	vst v14  }
0x171: {  	s1 =	sadd.s32 $0x10, s1;
	v12 =	vld [tilespmem:s11+$0x0]  }
0x172: {  	v16 =	vld [tilespmem:s1+$0x0]  }
0x173: {  	v46 =	vld.idx.msk [tilespmem:v43+s18+$0x0], $0xffff  }
0x174: {  	v47 =	vld.idx.msk [tilespmem:v44+s18+$0x0], $0xffff  }
0x175: {  	v48 =	vld.idx.msk [tilespmem:v45+s18+$0x0], $0xffff  }
0x176: {  	v49 =	vld [tilespmem:s30+$0x0]  }
0x177: {  	v13 =	vld.idx.msk [tilespmem:v44+s26+$0x0], $0xffff  }
0x178: {  	v15 =	vld.idx.msk [tilespmem:v43+s26+$0x0], $0xffff;
	_ =	sdelay $0x2  }
0x179: {  	v53 =	vld [tilespmem:s0+$0x0]  }
0x17a: {  	v14 =	vld.idx.msk [tilespmem:v45+s26+$0x0], $0xffff;
	v17 =	vadd.f32 v46, v16;
	v18 =	vadd.f32 v47, v12  }
0x17b: {  	v52 =	vadd.f32 v48, v49;
	v12 =	vmul.f32 v13, v12;
	v55 =	vmul.f32 v15, v16  }
0x17c: {  	v17 =	vmul.f32 v17, v11;
	v51 =	vmul.f32 v18, v11  }
0x17d: {  	v50 =	vld [tilespmem:$0x1B880];
	v54 =	vmul.f32 v52, v10  }
0x17e: {  	v57 =	vld [tilespmem:$0x1B870];
	v12 =	vadd.f32 v12, v55;
	v17 =	vmul.f32 v17, v17;
	v11 =	vmul.f32 v51, v51  }
0x17f: {  	vm15 =	vlt.f32 v53, $5.000000000e-01;
	v60 =	vmul.f32 v14, v49  }
0x180: {  	v56 =	vld [tilespmem:$0x1B860];
	v10 =	vmul.f32 v54, v54;
	v59 =	vmul.f32 v12, v9;
	v11 =	vadd.f32 v11, v17  }
0x181: {  	v58 =	vld [tilespmem:$0x1B850];
	v61 =	vsel vm15, $0x3F800000, v3  }
0x182: {  	v8 =	vmul.f32 v60, v8;
	v9 =	vadd.f32 v50, v59;
	v10 =	vadd.f32 v10, v11  }
0x183: {  	v12 =	vadd.f32 v57, v61  }
0x184: {  	v8 =	vadd.f32 v9, v8;
	v62 =	vmul.f32 v10, v61  }
0x185: {  	[tilespmem:$0x1B870] =	vst v12;
	v10 =	vadd.f32 v56, v10  }
0x186: {  	[tilespmem:$0x1B880] =	vst v8;
	v63 =	vadd.f32 v62, v58  }
0x187: {  	[tilespmem:$0x1B860] =	vst v10  }
0x188: {  	s12 =	rddreg [dreg:$0x14];
	s13 =	simm.s32 $0x1B840;
	s11 =	simm.s32 $0x0;
	[tilespmem:$0x1B850] =	vst v63  }
0x189: {  	[hbm4b:s12+s11] =	stream.linear.scatter [tilespmem:s13], [sflag:$0x2], $0x10, $0x38;
	[tilespmem:$0x1EA10] =	vst v63  }
0x18a: {  	_ =	swait.ge [sflag:s17], $0x10  }
0x18b: {  	[sflag:s17] =	ssyncset.done $0x0  }
0x18c: {  	s31 =	simm.s32 $0x1B850;
	s30 =	rddreg [dreg:$0x15];
	[sflag:s17] =	ssyncadd.s32 $0xFFFFFFF0  }
0x18d: {  	[hbm4b:s30+s11] =	stream.linear.scatter [tilespmem:s31], [sflag:$0x2], $0x10, $0x38;
	[tilespmem:$0x1EA10] =	vst v63  }
0x18e: {  	_ =	swait.ge [sflag:s17], $0x10  }
0x18f: {  	[sflag:s17] =	ssyncset.done $0x0  }
0x190: {  	s4 =	simm.s32 $0x1B860;
	s2 =	rddreg [dreg:$0x17];
	[sflag:s17] =	ssyncadd.s32 $0xFFFFFFF0  }
0x191: {  	[hbm4b:s2+s11] =	stream.linear.scatter [tilespmem:s4], [sflag:$0x2], $0x10, $0x38;
	[tilespmem:$0x1EA10] =	vst v63  }
0x192: {  	_ =	swait.ge [sflag:s17], $0x10  }
0x193: {  	[sflag:s17] =	ssyncset.done $0x0  }
0x194: {  	s10 =	simm.s32 $0x1B870;
	s8 =	rddreg [dreg:$0x18];
	[sflag:s17] =	ssyncadd.s32 $0xFFFFFFF0  }
0x195: {  	[hbm4b:s8+s11] =	stream.linear.scatter [tilespmem:s10], [sflag:$0x2], $0x10, $0x38;
	[tilespmem:$0x1EA10] =	vst v63  }
0x196: {  	_ =	swait.ge [sflag:s17], $0x10  }
0x197: {  	[sflag:s17] =	ssyncset.done $0x0  }
0x198: {  	s13 =	simm.s32 $0x1B880;
	s12 =	rddreg [dreg:$0x19];
	[sflag:s17] =	ssyncadd.s32 $0xFFFFFFF0  }
0x199: {  	[hbm4b:s12+s11] =	stream.linear.scatter [tilespmem:s13], [sflag:$0x2], $0x10, $0x38;
	[tilespmem:$0x1EA10] =	vst v63  }
0x19a: {  	_ =	swait.ge [sflag:s17], $0x10  }
0x19b: {  	s30 =	rddreg [dreg:$0x1b]  }
0x19c: {  	s31 =	rddreg [dreg:$0x1a];
	s1 =	sadd.s32 $0x1, s30  }
0x19d: {  	p0 =	sne.s32 s1, s31  }
.Ltmp4:
0x19e: {  	_ = 	snop;
	(pc) =	sbr.rel @p0 .LBB2_1-.Ltmp4, $4  }
0x19f: {  	_ = 	snop  }
0x1a0: {  	[sflag:s17] =	ssyncset.done $0x0  }
0x1a1: {  	s12 =	rddreg [dreg:$0x9];
	[sflag:s17] =	ssyncadd.s32 $0xFFFFFFF0  }
0x1a2: {  	s10 =	rddreg [dreg:$0x6]  }
0x1a3: {  	_ =	sfence.sel $0x180000  }
0x1a4: {  	[bflag:$0x0] =	sbarrier.arrive $0xFFFF  }
0x1a5: {  	_ =	strace $0x90000047  }
0x1a6: {  	s0 =	stileid.u32;
	[bflag:$0x2] =	sbarrier.arrive $0xFFFF  }
0x1a7: {  	p0 =	sne.s32 s0, $0x0;
	s0 =	rddreg [dreg:$0x7]  }
0x1a8: {  	s0 =	sadd.s32 @!p0 $0x100000, s0  }
0x1a9: {  	[sflag:s0] =	ssyncadd.tile.s32 @!p0 $0x1;
	_ =	shalt  }
.Lfunc_end2:
_tile_overlayer_lowered:
.L_overlay_start_2:
0x1aa: {  	(tag) =	ssettag $0x2  }
0x1ab: {  	s0 =	rddreg [dreg:$0x0];
	s2 =	stileid.u32  }
0x1ac: {  	s1 =	rddreg [dreg:$0x1];
	p0 =	sne.s32 s2, $0x0  }
0x1ad: {  	s3 =	rddreg [dreg:$0x2];
	[bflag:$0x3] =	sbarrier.arrive $0xFFFF;
	s2 =	simm.s32 @!p0 $0x1C02  }
0x1ae: {  	[timem:s3], [sflag:s2] =	dma.local @!p0 [hbm:s0], s1  }
0x1af: {  	s0 =	simm.s32 @!p0 $0x2  }
0x1b0: {  	_ =	swait.ge @!p0 [sflag:s0], s1  }
0x1b1: {  	s1 =	ssub.s32 @!p0 $0x0, s1;
	[sflag:s0] =	ssyncset.done @!p0 $0x0  }
0x1b2: {  	[sflag:s0] =	ssyncadd.s32 @!p0 s1  }
0x1b3: {  	[bflag:$0x3] =	sbarrier.arrive $0xFFFF  }
0x1b4: {  	_ =	shalt  }

</sc_bundles>
